<compile_context>
chip_gen: v7x
topology: tpu7x:2x2x1
jax: 0.10.2.dev20260603
libtpu: 0.0.44.dev20260713+nightly
codegen_flags: <defaults>
</compile_context>

<pallas_src>
import functools

import jax
import jax.numpy as jnp
from jax import lax
from jax.experimental import pallas as pl
from jax.experimental.pallas import tpu as pltpu
from jax.experimental.pallas import tpu_sc as plsc

N = 262144
NUM_CAT = 26
NUM_ATTR = 154
NUM_NUM = 128
K = 32
NUM_GROUPS = 65536

TC_B = 1024

NS = 16
ROWS_PER_TILE = N // NS
CHUNK = 1024
SUB = 128
N_CHUNKS = ROWS_PER_TILE // CHUNK
SUBS_PER_CHUNK = CHUNK // SUB
KH = K // 2


def _tc_body(x_ref, idx_ref, p_ref, m_ref, v0_ref, v1_ref, g_ref):
    x = x_ref[...]
    p = p_ref[...]
    v = lax.dot(x, p, precision=lax.Precision.HIGHEST,
                preferred_element_type=jnp.float32)
    v0_ref[...] = v[:, :KH]
    v1_ref[...] = v[:, KH:]
    idx = idx_ref[...]
    m = m_ref[...]
    g_ref[...] = jnp.sum(idx * m, axis=1, keepdims=True)


def _tc_select(inputs, idx_inputs, p_full, mask26):
    grid = (N // TC_B,)
    return pl.pallas_call(
        _tc_body,
        grid=grid,
        in_specs=[
            pl.BlockSpec((TC_B, NUM_ATTR), lambda i: (i, 0)),
            pl.BlockSpec((TC_B, NUM_CAT), lambda i: (i, 0)),
            pl.BlockSpec((NUM_ATTR, K), lambda i: (0, 0)),
            pl.BlockSpec((1, NUM_CAT), lambda i: (0, 0)),
        ],
        out_specs=[
            pl.BlockSpec((TC_B, KH), lambda i: (i, 0)),
            pl.BlockSpec((TC_B, KH), lambda i: (i, 0)),
            pl.BlockSpec((TC_B, 1), lambda i: (i, 0)),
        ],
        out_shape=[
            jax.ShapeDtypeStruct((N, KH), jnp.float32),
            jax.ShapeDtypeStruct((N, KH), jnp.float32),
            jax.ShapeDtypeStruct((N, 1), jnp.int32),
        ],
        compiler_params=pltpu.CompilerParams(
            dimension_semantics=("parallel",)),
    )(inputs, idx_inputs, p_full, mask26)


def _sc_aggregate(vals0, vals1, gidx2d):
    mesh = plsc.VectorSubcoreMesh(core_axis_name="c", subcore_axis_name="s")

    @functools.partial(
        pl.kernel,
        mesh=mesh,
        out_type=[
            jax.ShapeDtypeStruct((N, KH), jnp.float32),
            jax.ShapeDtypeStruct((N, KH), jnp.float32),
        ],
        scratch_types=[
            pltpu.VMEM_SHARED((NUM_GROUPS, KH), jnp.float32),
            pltpu.VMEM((SUB, SUB), jnp.int32),
            pltpu.VMEM((CHUNK, KH), jnp.float32),
            pltpu.VMEM((CHUNK, KH), jnp.float32),
        ],
        compiler_params=pltpu.CompilerParams(use_tc_tiling_on_sc=False),
    )
    def k(v0_hbm, v1_hbm, g_hbm, o0_hbm, o1_hbm, agg, gidx_v, vals_v, out_v):
        c = lax.axis_index("c")
        s = lax.axis_index("s")

        def zrow(i, _):
            vals_v[i, :] = jnp.zeros((16,), jnp.float32)
            return 0
        lax.fori_loop(0, CHUNK, zrow, 0)
        zslice = NUM_GROUPS // NS
        for z in range(zslice // CHUNK):
            pltpu.sync_copy(vals_v,
                            agg.at[pl.ds(s * zslice + z * CHUNK, CHUNK)])

        pltpu.sync_copy(g_hbm.at[pl.ds(s * SUB, SUB)], gidx_v)
        plsc.subcore_barrier()

        def p1(chunk, _):
            rr = s * ROWS_PER_TILE + chunk * CHUNK

            @pl.when(c == 0)
            def _():
                pltpu.sync_copy(v0_hbm.at[pl.ds(rr, CHUNK)], vals_v)

            @pl.when(c == 1)
            def _():
                pltpu.sync_copy(v1_hbm.at[pl.ds(rr, CHUNK)], vals_v)

            for j in range(SUBS_PER_CHUNK):
                idxrow = gidx_v.at[chunk * SUBS_PER_CHUNK + j]
                pltpu.sync_copy(vals_v.at[pl.ds(j * SUB, SUB)],
                                agg.at[idxrow], add=True)
            return 0
        lax.fori_loop(0, N_CHUNKS, p1, 0)
        plsc.subcore_barrier()

        def p2(chunk, _):
            rr = s * ROWS_PER_TILE + chunk * CHUNK
            for j in range(SUBS_PER_CHUNK):
                idxrow = gidx_v.at[chunk * SUBS_PER_CHUNK + j]
                pltpu.sync_copy(agg.at[idxrow],
                                out_v.at[pl.ds(j * SUB, SUB)])

            @pl.when(c == 0)
            def _():
                pltpu.sync_copy(out_v, o0_hbm.at[pl.ds(rr, CHUNK)])

            @pl.when(c == 1)
            def _():
                pltpu.sync_copy(out_v, o1_hbm.at[pl.ds(rr, CHUNK)])
            return 0
        lax.fori_loop(0, N_CHUNKS, p2, 0)

    return k(vals0, vals1, gidx2d)


def kernel(inputs, idx_inputs, cat_mask, numeric_mask):
    cm = jax.nn.softmax(cat_mask)
    top_cat_val, top_idx = lax.top_k(cm, 1)
    nm = jax.nn.softmax(numeric_mask)
    top_num_val, top_nidx = lax.top_k(nm, K)
    scale = (top_num_val + top_cat_val) * 0.5
    p_full = jnp.zeros((NUM_ATTR, K), jnp.float32).at[
        NUM_CAT + top_nidx, jnp.arange(K)].set(scale)
    mask26 = (jnp.arange(NUM_CAT)[None, :] == top_idx[0]).astype(jnp.int32)

    vals0, vals1, gidx = _tc_select(
        inputs, idx_inputs.astype(jnp.int32), p_full, mask26)
    gidx2d = gidx.reshape(N // SUB, SUB)
    out0, out1 = _sc_aggregate(vals0, vals1, gidx2d)
    return jnp.concatenate([out0, out1], axis=1)

# --- scband reference (transcript-rebuilt; emitter-appended) ---
"""Pipeline reference for scband-aggregate-24223615550063 (READ-ONLY COPY).

The authoritative reference and input builder live on the scoring server;
editing this copy changes nothing except your own understanding.
"""

import jax, jax.numpy as jnp
import numpy as np

NUM_CAT = 26
NUM_ATTR = 154
NUM_NUMERICS = NUM_ATTR - NUM_CAT
N_ARY = 32
N = 262144
NUM_GROUPS = 65536


def setup_inputs(seed: int = 0) -> dict:
    key = jax.random.key(seed)
    k1, k2, k3, k4 = jax.random.split(key, 4)
    inputs = jax.random.normal(k1, (N, NUM_ATTR), dtype=jnp.float32)
    idx_inputs = jax.random.randint(k2, (N, NUM_CAT), 0, NUM_GROUPS)
    cat_mask = jax.random.uniform(k3, (NUM_CAT,), dtype=jnp.float32)
    numeric_mask = jax.random.uniform(k4, (NUM_NUMERICS,), dtype=jnp.float32)
    return {"inputs": inputs, "idx_inputs": idx_inputs, "cat_mask": cat_mask, "numeric_mask": numeric_mask}


def reference(inputs, idx_inputs, cat_mask, numeric_mask):
    # softmax over categorical mask, pick top-1 categorical feature to GroupBy
    cm = jax.nn.softmax(cat_mask)
    top_cat_val, top_idx = jax.lax.top_k(cm, 1)
    cat_idx = jnp.take(idx_inputs, top_idx[0], axis=1).astype(jnp.int32)  # [N]
    num_segments = NUM_GROUPS
    # scatter-add numeric features into per-group buffer (GroupBy-sum)
    updates = inputs[:, NUM_CAT:]  # [N, NUM_NUMERICS]
    cat_aggregate = jax.ops.segment_sum(updates, cat_idx, num_segments=num_segments)
    # gather aggregated group stats back to each row
    gathered = jnp.take(cat_aggregate, cat_idx, axis=0)  # [N, NUM_NUMERICS]
    # softmax over numeric mask, keep top-k numeric columns
    nm = jax.nn.softmax(numeric_mask)
    k = min(N_ARY, NUM_NUMERICS)
    top_num_val, top_nidx = jax.lax.top_k(nm, k)
    mask_confidence = (top_num_val + top_cat_val) / 2.0  # broadcast [k]
    out = jnp.take(gathered, top_nidx, axis=1) * mask_confidence[None, :]
    return out

if __name__ == "__main__":
    import jax
    _d = setup_inputs()
    print(jax.jit(kernel)(*tuple(_d.values())))

</pallas_src>

<mosaic_0001>
#map = affine_map<(d0, d1) -> (0, 0)>
module attributes {stable_mosaic.version = 14 : i64} {
  func.func @k(%arg0: i32, %arg1: i32, %arg2: memref<262144x16xf32, #tpu.memory_space<hbm>>, %arg3: memref<262144x16xf32, #tpu.memory_space<hbm>>, %arg4: memref<2048x128xi32, #tpu.memory_space<hbm>>, %arg5: memref<262144x16xf32, #tpu.memory_space<hbm>>, %arg6: memref<262144x16xf32, #tpu.memory_space<hbm>>, %arg7: memref<65536x16xf32, #tpu.memory_space<vmem_shared>>, %arg8: memref<128x128xi32, #tpu.memory_space<vmem>>, %arg9: memref<1024x16xf32, #tpu.memory_space<vmem>>, %arg10: memref<1024x16xf32, #tpu.memory_space<vmem>>) attributes {dimension_semantics = [#tpu.dimension_semantics<core_parallel>, #tpu.dimension_semantics<subcore_parallel>], iteration_bounds = array<i64: 2, 16>, scalar_prefetch = 0 : i64, scratch_operands = 4 : i64, tpu.core_type = #tpu.core_type<sc_vector_subcore>, window_params = [{transform_indices = #map}, {transform_indices = #map}, {transform_indices = #map}, {transform_indices = #map}, {transform_indices = #map}]} {
    %scan3A = arith.constant 0 : i32
    %scan3A_0 = arith.constant 0 : i32
    %scan3A_1 = arith.constant 1024 : i32
    %scan3A_2 = arith.addi %scan3A_0, %scan3A_1 : i32
    %scan3A_3 = arith.constant 1 : i32
    %scan3A_4 = scf.for %scan3A_37 = %scan3A_0 to %scan3A_2 step %scan3A_3 iter_args(%scan3A_38 = %scan3A) -> (i32)  : i32 {
      %broadcast_in_dim3A = arith.constant 0.000000e+00 : f32
      %broadcast_in_dim3A_39 = vector.broadcast %broadcast_in_dim3A : f32 to vector<16xf32>
      %swap3A = arith.index_cast %scan3A_37 : i32 to index
      %swap3A_40 = arith.constant 0 : index
      %swap3A_41 = tpu.vector_load %arg9[%swap3A, %swap3A_40] {strides = array<i32>} : memref<1024x16xf32, #tpu.memory_space<vmem>>, vector<1x16xf32>,
      %swap3A_42 = vector.shape_cast %swap3A_41 : vector<1x16xf32> to vector<16xf32>
      %swap3A_43 = vector.shape_cast %broadcast_in_dim3A_39 : vector<16xf32> to vector<1x16xf32>
      tpu.vector_store %arg9[%swap3A, %swap3A_40], %swap3A_43 {strides = array<i32>} : memref<1024x16xf32, #tpu.memory_space<vmem>>, vector<1x16xf32>,
      %scan3A_44 = arith.constant 0 : i32
      scf.yield %scan3A_44 : i32
    }
    %scan3A_5 = arith.constant 1024 : i32
    %mul3A = arith.constant 4096 : i32
    %mul3A_6 = arith.muli %arg1, %mul3A : i32
    %add3A = arith.constant 0 : i32
    %add3A_7 = arith.addi %mul3A_6, %add3A : i32
    "tpu.region"() ({
      %run_scoped3A = tpu.sem_alloc : memref<!tpu.dma_semaphore, #tpu.memory_space<semaphore_mem>>
      %dma_start3A = arith.constant 0 : i32
      %dma_start3A_37 = tpu.memref_slice %arg7[%add3A_7, %dma_start3A] : memref<65536x16xf32, #tpu.memory_space<vmem_shared>> -> memref<1024x16xf32, #tpu.memory_space<vmem_shared>>
      %dma_start3A_38 = arith.constant 0 : i32
      %dma_start3A_39 = tpu.memref_slice %arg7[%add3A_7, %dma_start3A_38] : memref<65536x16xf32, #tpu.memory_space<vmem_shared>> -> memref<1024x16xf32, #tpu.memory_space<vmem_shared>>
      tpu.enqueue_dma source(%arg9 : memref<1024x16xf32, #tpu.memory_space<vmem>>) target(%dma_start3A_39 : memref<1024x16xf32, #tpu.memory_space<vmem_shared>>) target_semaphore(%run_scoped3A : memref<!tpu.dma_semaphore, #tpu.memory_space<semaphore_mem>>)
      %dma_wait3A = arith.constant 0 : i32
      %dma_wait3A_40 = tpu.memref_slice %arg7[%add3A_7, %dma_wait3A] : memref<65536x16xf32, #tpu.memory_space<vmem_shared>> -> memref<1024x16xf32, #tpu.memory_space<vmem_shared>>
      %dma_wait3A_41 = arith.constant 0 : i32
      %dma_wait3A_42 = tpu.memref_slice %arg7[%add3A_7, %dma_wait3A_41] : memref<65536x16xf32, #tpu.memory_space<vmem_shared>> -> memref<1024x16xf32, #tpu.memory_space<vmem_shared>>
      tpu.wait_dma2 semaphore(%run_scoped3A : memref<!tpu.dma_semaphore, #tpu.memory_space<semaphore_mem>>) src(%arg9 : memref<1024x16xf32, #tpu.memory_space<vmem>>) dst(%dma_wait3A_42 : memref<1024x16xf32, #tpu.memory_space<vmem_shared>>)
      tpu.yield
    }) : () -> ()
    %mul3A_8 = arith.constant 4096 : i32
    %mul3A_9 = arith.muli %arg1, %mul3A_8 : i32
    %add3A_10 = arith.constant 1024 : i32
    %add3A_11 = arith.addi %mul3A_9, %add3A_10 : i32
    "tpu.region"() ({
      %run_scoped3A = tpu.sem_alloc : memref<!tpu.dma_semaphore, #tpu.memory_space<semaphore_mem>>
      %dma_start3A = arith.constant 0 : i32
      %dma_start3A_37 = tpu.memref_slice %arg7[%add3A_11, %dma_start3A] : memref<65536x16xf32, #tpu.memory_space<vmem_shared>> -> memref<1024x16xf32, #tpu.memory_space<vmem_shared>>
      %dma_start3A_38 = arith.constant 0 : i32
      %dma_start3A_39 = tpu.memref_slice %arg7[%add3A_11, %dma_start3A_38] : memref<65536x16xf32, #tpu.memory_space<vmem_shared>> -> memref<1024x16xf32, #tpu.memory_space<vmem_shared>>
      tpu.enqueue_dma source(%arg9 : memref<1024x16xf32, #tpu.memory_space<vmem>>) target(%dma_start3A_39 : memref<1024x16xf32, #tpu.memory_space<vmem_shared>>) target_semaphore(%run_scoped3A : memref<!tpu.dma_semaphore, #tpu.memory_space<semaphore_mem>>)
      %dma_wait3A = arith.constant 0 : i32
      %dma_wait3A_40 = tpu.memref_slice %arg7[%add3A_11, %dma_wait3A] : memref<65536x16xf32, #tpu.memory_space<vmem_shared>> -> memref<1024x16xf32, #tpu.memory_space<vmem_shared>>
      %dma_wait3A_41 = arith.constant 0 : i32
      %dma_wait3A_42 = tpu.memref_slice %arg7[%add3A_11, %dma_wait3A_41] : memref<65536x16xf32, #tpu.memory_space<vmem_shared>> -> memref<1024x16xf32, #tpu.memory_space<vmem_shared>>
      tpu.wait_dma2 semaphore(%run_scoped3A : memref<!tpu.dma_semaphore, #tpu.memory_space<semaphore_mem>>) src(%arg9 : memref<1024x16xf32, #tpu.memory_space<vmem>>) dst(%dma_wait3A_42 : memref<1024x16xf32, #tpu.memory_space<vmem_shared>>)
      tpu.yield
    }) : () -> ()
    %mul3A_12 = arith.constant 4096 : i32
    %mul3A_13 = arith.muli %arg1, %mul3A_12 : i32
    %add3A_14 = arith.constant 2048 : i32
    %add3A_15 = arith.addi %mul3A_13, %add3A_14 : i32
    "tpu.region"() ({
      %run_scoped3A = tpu.sem_alloc : memref<!tpu.dma_semaphore, #tpu.memory_space<semaphore_mem>>
      %dma_start3A = arith.constant 0 : i32
      %dma_start3A_37 = tpu.memref_slice %arg7[%add3A_15, %dma_start3A] : memref<65536x16xf32, #tpu.memory_space<vmem_shared>> -> memref<1024x16xf32, #tpu.memory_space<vmem_shared>>
      %dma_start3A_38 = arith.constant 0 : i32
      %dma_start3A_39 = tpu.memref_slice %arg7[%add3A_15, %dma_start3A_38] : memref<65536x16xf32, #tpu.memory_space<vmem_shared>> -> memref<1024x16xf32, #tpu.memory_space<vmem_shared>>
      tpu.enqueue_dma source(%arg9 : memref<1024x16xf32, #tpu.memory_space<vmem>>) target(%dma_start3A_39 : memref<1024x16xf32, #tpu.memory_space<vmem_shared>>) target_semaphore(%run_scoped3A : memref<!tpu.dma_semaphore, #tpu.memory_space<semaphore_mem>>)
      %dma_wait3A = arith.constant 0 : i32
      %dma_wait3A_40 = tpu.memref_slice %arg7[%add3A_15, %dma_wait3A] : memref<65536x16xf32, #tpu.memory_space<vmem_shared>> -> memref<1024x16xf32, #tpu.memory_space<vmem_shared>>
      %dma_wait3A_41 = arith.constant 0 : i32
      %dma_wait3A_42 = tpu.memref_slice %arg7[%add3A_15, %dma_wait3A_41] : memref<65536x16xf32, #tpu.memory_space<vmem_shared>> -> memref<1024x16xf32, #tpu.memory_space<vmem_shared>>
      tpu.wait_dma2 semaphore(%run_scoped3A : memref<!tpu.dma_semaphore, #tpu.memory_space<semaphore_mem>>) src(%arg9 : memref<1024x16xf32, #tpu.memory_space<vmem>>) dst(%dma_wait3A_42 : memref<1024x16xf32, #tpu.memory_space<vmem_shared>>)
      tpu.yield
    }) : () -> ()
    %mul3A_16 = arith.constant 4096 : i32
    %mul3A_17 = arith.muli %arg1, %mul3A_16 : i32
    %add3A_18 = arith.constant 3072 : i32
    %add3A_19 = arith.addi %mul3A_17, %add3A_18 : i32
    "tpu.region"() ({
      %run_scoped3A = tpu.sem_alloc : memref<!tpu.dma_semaphore, #tpu.memory_space<semaphore_mem>>
      %dma_start3A = arith.constant 0 : i32
      %dma_start3A_37 = tpu.memref_slice %arg7[%add3A_19, %dma_start3A] : memref<65536x16xf32, #tpu.memory_space<vmem_shared>> -> memref<1024x16xf32, #tpu.memory_space<vmem_shared>>
      %dma_start3A_38 = arith.constant 0 : i32
      %dma_start3A_39 = tpu.memref_slice %arg7[%add3A_19, %dma_start3A_38] : memref<65536x16xf32, #tpu.memory_space<vmem_shared>> -> memref<1024x16xf32, #tpu.memory_space<vmem_shared>>
      tpu.enqueue_dma source(%arg9 : memref<1024x16xf32, #tpu.memory_space<vmem>>) target(%dma_start3A_39 : memref<1024x16xf32, #tpu.memory_space<vmem_shared>>) target_semaphore(%run_scoped3A : memref<!tpu.dma_semaphore, #tpu.memory_space<semaphore_mem>>)
      %dma_wait3A = arith.constant 0 : i32
      %dma_wait3A_40 = tpu.memref_slice %arg7[%add3A_19, %dma_wait3A] : memref<65536x16xf32, #tpu.memory_space<vmem_shared>> -> memref<1024x16xf32, #tpu.memory_space<vmem_shared>>
      %dma_wait3A_41 = arith.constant 0 : i32
      %dma_wait3A_42 = tpu.memref_slice %arg7[%add3A_19, %dma_wait3A_41] : memref<65536x16xf32, #tpu.memory_space<vmem_shared>> -> memref<1024x16xf32, #tpu.memory_space<vmem_shared>>
      tpu.wait_dma2 semaphore(%run_scoped3A : memref<!tpu.dma_semaphore, #tpu.memory_space<semaphore_mem>>) src(%arg9 : memref<1024x16xf32, #tpu.memory_space<vmem>>) dst(%dma_wait3A_42 : memref<1024x16xf32, #tpu.memory_space<vmem_shared>>)
      tpu.yield
    }) : () -> ()
    %mul3A_20 = arith.constant 128 : i32
    %mul3A_21 = arith.muli %arg1, %mul3A_20 : i32
    "tpu.region"() ({
      %run_scoped3A = tpu.sem_alloc : memref<!tpu.dma_semaphore, #tpu.memory_space<semaphore_mem>>
      %dma_start3A = arith.constant 0 : i32
      %dma_start3A_37 = tpu.memref_slice %arg4[%mul3A_21, %dma_start3A] : memref<2048x128xi32, #tpu.memory_space<hbm>> -> memref<128x128xi32, #tpu.memory_space<hbm>>
      %dma_start3A_38 = arith.constant 0 : i32
      %dma_start3A_39 = tpu.memref_slice %arg4[%mul3A_21, %dma_start3A_38] : memref<2048x128xi32, #tpu.memory_space<hbm>> -> memref<128x128xi32, #tpu.memory_space<hbm>>
      tpu.enqueue_dma source(%dma_start3A_39 : memref<128x128xi32, #tpu.memory_space<hbm>>) target(%arg8 : memref<128x128xi32, #tpu.memory_space<vmem>>) target_semaphore(%run_scoped3A : memref<!tpu.dma_semaphore, #tpu.memory_space<semaphore_mem>>)
      %dma_wait3A = arith.constant 0 : i32
      %dma_wait3A_40 = tpu.memref_slice %arg4[%mul3A_21, %dma_wait3A] : memref<2048x128xi32, #tpu.memory_space<hbm>> -> memref<128x128xi32, #tpu.memory_space<hbm>>
      %dma_wait3A_41 = arith.constant 0 : i32
      %dma_wait3A_42 = tpu.memref_slice %arg4[%mul3A_21, %dma_wait3A_41] : memref<2048x128xi32, #tpu.memory_space<hbm>> -> memref<128x128xi32, #tpu.memory_space<hbm>>
      tpu.wait_dma2 semaphore(%run_scoped3A : memref<!tpu.dma_semaphore, #tpu.memory_space<semaphore_mem>>) src(%dma_wait3A_42 : memref<128x128xi32, #tpu.memory_space<hbm>>) dst(%arg8 : memref<128x128xi32, #tpu.memory_space<vmem>>)
      tpu.yield
    }) : () -> ()
    %barrier3A = arith.constant 0 : index
    tpu.barrier barrier_id(%barrier3A)
    %scan3A_22 = arith.constant 0 : i32
    %scan3A_23 = arith.constant 0 : i32
    %scan3A_24 = arith.constant 16 : i32
    %scan3A_25 = arith.addi %scan3A_23, %scan3A_24 : i32
    %scan3A_26 = arith.constant 1 : i32
    %scan3A_27 = scf.for %scan3A_37 = %scan3A_23 to %scan3A_25 step %scan3A_26 iter_args(%scan3A_38 = %scan3A_22) -> (i32)  : i32 {
      %mul3A_39 = arith.constant 16384 : i32
      %mul3A_40 = arith.muli %arg1, %mul3A_39 : i32
      %mul3A_41 = arith.constant 1024 : i32
      %mul3A_42 = arith.muli %scan3A_37, %mul3A_41 : i32
      %add3A_43 = arith.addi %mul3A_40, %mul3A_42 : i32
      %eq3A = arith.constant 0 : i32
      %eq3A_44 = arith.cmpi eq, %arg0, %eq3A : i32
      %convert_element_type3A = arith.extui %eq3A_44 : i1 to i32
      %cond3A = arith.constant 0 : i32
      %cond3A_45 = arith.cmpi ne, %convert_element_type3A, %cond3A : i32
      scf.if %cond3A_45 {
        "tpu.region"() ({
          %run_scoped3A = tpu.sem_alloc : memref<!tpu.dma_semaphore, #tpu.memory_space<semaphore_mem>>
          %dma_start3A = arith.constant 0 : i32
          %dma_start3A_84 = tpu.memref_slice %arg2[%add3A_43, %dma_start3A] : memref<262144x16xf32, #tpu.memory_space<hbm>> -> memref<1024x16xf32, #tpu.memory_space<hbm>>
          %dma_start3A_85 = arith.constant 0 : i32
          %dma_start3A_86 = tpu.memref_slice %arg2[%add3A_43, %dma_start3A_85] : memref<262144x16xf32, #tpu.memory_space<hbm>> -> memref<1024x16xf32, #tpu.memory_space<hbm>>
          tpu.enqueue_dma source(%dma_start3A_86 : memref<1024x16xf32, #tpu.memory_space<hbm>>) target(%arg9 : memref<1024x16xf32, #tpu.memory_space<vmem>>) target_semaphore(%run_scoped3A : memref<!tpu.dma_semaphore, #tpu.memory_space<semaphore_mem>>)
          %dma_wait3A = arith.constant 0 : i32
          %dma_wait3A_87 = tpu.memref_slice %arg2[%add3A_43, %dma_wait3A] : memref<262144x16xf32, #tpu.memory_space<hbm>> -> memref<1024x16xf32, #tpu.memory_space<hbm>>
          %dma_wait3A_88 = arith.constant 0 : i32
          %dma_wait3A_89 = tpu.memref_slice %arg2[%add3A_43, %dma_wait3A_88] : memref<262144x16xf32, #tpu.memory_space<hbm>> -> memref<1024x16xf32, #tpu.memory_space<hbm>>
          tpu.wait_dma2 semaphore(%run_scoped3A : memref<!tpu.dma_semaphore, #tpu.memory_space<semaphore_mem>>) src(%dma_wait3A_89 : memref<1024x16xf32, #tpu.memory_space<hbm>>) dst(%arg9 : memref<1024x16xf32, #tpu.memory_space<vmem>>)
          tpu.yield
        }) : () -> ()
      } else {
      }
      %eq3A_46 = arith.constant 1 : i32
      %eq3A_47 = arith.cmpi eq, %arg0, %eq3A_46 : i32
      %convert_element_type3A_48 = arith.extui %eq3A_47 : i1 to i32
      %cond3A_49 = arith.constant 0 : i32
      %cond3A_50 = arith.cmpi ne, %convert_element_type3A_48, %cond3A_49 : i32
      scf.if %cond3A_50 {
        "tpu.region"() ({
          %run_scoped3A = tpu.sem_alloc : memref<!tpu.dma_semaphore, #tpu.memory_space<semaphore_mem>>
          %dma_start3A = arith.constant 0 : i32
          %dma_start3A_84 = tpu.memref_slice %arg3[%add3A_43, %dma_start3A] : memref<262144x16xf32, #tpu.memory_space<hbm>> -> memref<1024x16xf32, #tpu.memory_space<hbm>>
          %dma_start3A_85 = arith.constant 0 : i32
          %dma_start3A_86 = tpu.memref_slice %arg3[%add3A_43, %dma_start3A_85] : memref<262144x16xf32, #tpu.memory_space<hbm>> -> memref<1024x16xf32, #tpu.memory_space<hbm>>
          tpu.enqueue_dma source(%dma_start3A_86 : memref<1024x16xf32, #tpu.memory_space<hbm>>) target(%arg9 : memref<1024x16xf32, #tpu.memory_space<vmem>>) target_semaphore(%run_scoped3A : memref<!tpu.dma_semaphore, #tpu.memory_space<semaphore_mem>>)
          %dma_wait3A = arith.constant 0 : i32
          %dma_wait3A_87 = tpu.memref_slice %arg3[%add3A_43, %dma_wait3A] : memref<262144x16xf32, #tpu.memory_space<hbm>> -> memref<1024x16xf32, #tpu.memory_space<hbm>>
          %dma_wait3A_88 = arith.constant 0 : i32
          %dma_wait3A_89 = tpu.memref_slice %arg3[%add3A_43, %dma_wait3A_88] : memref<262144x16xf32, #tpu.memory_space<hbm>> -> memref<1024x16xf32, #tpu.memory_space<hbm>>
          tpu.wait_dma2 semaphore(%run_scoped3A : memref<!tpu.dma_semaphore, #tpu.memory_space<semaphore_mem>>) src(%dma_wait3A_89 : memref<1024x16xf32, #tpu.memory_space<hbm>>) dst(%arg9 : memref<1024x16xf32, #tpu.memory_space<vmem>>)
          tpu.yield
        }) : () -> ()
      } else {
      }
      %mul3A_51 = arith.constant 8 : i32
      %mul3A_52 = arith.muli %scan3A_37, %mul3A_51 : i32
      %add3A_53 = arith.constant 0 : i32
      %add3A_54 = arith.addi %mul3A_52, %add3A_53 : i32
      "tpu.region"() ({
        %run_scoped3A = tpu.sem_alloc : memref<!tpu.dma_semaphore, #tpu.memory_space<semaphore_mem>>
        %dma_start3A = arith.constant 0 : i32
        %dma_start3A_84 = arith.constant 0 : i32
        %dma_start3A_85 = tpu.memref_slice %arg9[%dma_start3A, %dma_start3A_84] : memref<1024x16xf32, #tpu.memory_space<vmem>> -> memref<128x16xf32, #tpu.memory_space<vmem>>
        %dma_start3A_86 = arith.constant 0 : i32
        %dma_start3A_87 = tpu.memref_slice %arg8[%add3A_54, %dma_start3A_86] : memref<128x128xi32, #tpu.memory_space<vmem>> -> memref<1x128xi32, #tpu.memory_space<vmem>>
        %dma_start3A_88 = tpu.memref_squeeze %dma_start3A_87 : memref<1x128xi32, #tpu.memory_space<vmem>> -> memref<128xi32, #tpu.memory_space<vmem>>
        %dma_start3A_89 = arith.constant 0 : i32
        %dma_start3A_90 = arith.constant 0 : i32
        %dma_start3A_91 = tpu.memref_slice %arg7[%dma_start3A_89, %dma_start3A_90] : memref<65536x16xf32, #tpu.memory_space<vmem_shared>> -> memref<65536x16xf32, #tpu.memory_space<vmem_shared>>
        tpu.enqueue_indirect_dma source(%dma_start3A_85 : memref<128x16xf32, #tpu.memory_space<vmem>>) target(%dma_start3A_91 : memref<65536x16xf32, #tpu.memory_space<vmem_shared>>) offsets(%dma_start3A_88 : memref<128xi32, #tpu.memory_space<vmem>>) semaphore(%run_scoped3A : memref<!tpu.dma_semaphore, #tpu.memory_space<semaphore_mem>>) {add = true}
        %dma_wait3A = arith.constant 0 : i32
        %dma_wait3A_92 = arith.constant 0 : i32
        %dma_wait3A_93 = tpu.memref_slice %arg9[%dma_wait3A, %dma_wait3A_92] : memref<1024x16xf32, #tpu.memory_space<vmem>> -> memref<128x16xf32, #tpu.memory_space<vmem>>
        %dma_wait3A_94 = arith.constant 0 : i32
        %dma_wait3A_95 = tpu.memref_slice %arg8[%add3A_54, %dma_wait3A_94] : memref<128x128xi32, #tpu.memory_space<vmem>> -> memref<1x128xi32, #tpu.memory_space<vmem>>
        %dma_wait3A_96 = tpu.memref_squeeze %dma_wait3A_95 : memref<1x128xi32, #tpu.memory_space<vmem>> -> memref<128xi32, #tpu.memory_space<vmem>>
        %dma_wait3A_97 = arith.constant 0 : i32
        %dma_wait3A_98 = arith.constant 0 : i32
        %dma_wait3A_99 = tpu.memref_slice %arg7[%dma_wait3A_97, %dma_wait3A_98] : memref<65536x16xf32, #tpu.memory_space<vmem_shared>> -> memref<65536x16xf32, #tpu.memory_space<vmem_shared>>
        tpu.wait_indirect_dma semaphore(%run_scoped3A : memref<!tpu.dma_semaphore, #tpu.memory_space<semaphore_mem>>) src(%dma_wait3A_93 : memref<128x16xf32, #tpu.memory_space<vmem>>) dst(%dma_wait3A_99 : memref<65536x16xf32, #tpu.memory_space<vmem_shared>>)
        tpu.yield
      }) : () -> ()
      %mul3A_55 = arith.constant 8 : i32
      %mul3A_56 = arith.muli %scan3A_37, %mul3A_55 : i32
      %add3A_57 = arith.constant 1 : i32
      %add3A_58 = arith.addi %mul3A_56, %add3A_57 : i32
      "tpu.region"() ({
        %run_scoped3A = tpu.sem_alloc : memref<!tpu.dma_semaphore, #tpu.memory_space<semaphore_mem>>
        %dma_start3A = arith.constant 128 : i32
        %dma_start3A_84 = arith.constant 0 : i32
        %dma_start3A_85 = tpu.memref_slice %arg9[%dma_start3A, %dma_start3A_84] : memref<1024x16xf32, #tpu.memory_space<vmem>> -> memref<128x16xf32, #tpu.memory_space<vmem>>
        %dma_start3A_86 = arith.constant 0 : i32
        %dma_start3A_87 = tpu.memref_slice %arg8[%add3A_58, %dma_start3A_86] : memref<128x128xi32, #tpu.memory_space<vmem>> -> memref<1x128xi32, #tpu.memory_space<vmem>>
        %dma_start3A_88 = tpu.memref_squeeze %dma_start3A_87 : memref<1x128xi32, #tpu.memory_space<vmem>> -> memref<128xi32, #tpu.memory_space<vmem>>
        %dma_start3A_89 = arith.constant 0 : i32
        %dma_start3A_90 = arith.constant 0 : i32
        %dma_start3A_91 = tpu.memref_slice %arg7[%dma_start3A_89, %dma_start3A_90] : memref<65536x16xf32, #tpu.memory_space<vmem_shared>> -> memref<65536x16xf32, #tpu.memory_space<vmem_shared>>
        tpu.enqueue_indirect_dma source(%dma_start3A_85 : memref<128x16xf32, #tpu.memory_space<vmem>>) target(%dma_start3A_91 : memref<65536x16xf32, #tpu.memory_space<vmem_shared>>) offsets(%dma_start3A_88 : memref<128xi32, #tpu.memory_space<vmem>>) semaphore(%run_scoped3A : memref<!tpu.dma_semaphore, #tpu.memory_space<semaphore_mem>>) {add = true}
        %dma_wait3A = arith.constant 128 : i32
        %dma_wait3A_92 = arith.constant 0 : i32
        %dma_wait3A_93 = tpu.memref_slice %arg9[%dma_wait3A, %dma_wait3A_92] : memref<1024x16xf32, #tpu.memory_space<vmem>> -> memref<128x16xf32, #tpu.memory_space<vmem>>
        %dma_wait3A_94 = arith.constant 0 : i32
        %dma_wait3A_95 = tpu.memref_slice %arg8[%add3A_58, %dma_wait3A_94] : memref<128x128xi32, #tpu.memory_space<vmem>> -> memref<1x128xi32, #tpu.memory_space<vmem>>
        %dma_wait3A_96 = tpu.memref_squeeze %dma_wait3A_95 : memref<1x128xi32, #tpu.memory_space<vmem>> -> memref<128xi32, #tpu.memory_space<vmem>>
        %dma_wait3A_97 = arith.constant 0 : i32
        %dma_wait3A_98 = arith.constant 0 : i32
        %dma_wait3A_99 = tpu.memref_slice %arg7[%dma_wait3A_97, %dma_wait3A_98] : memref<65536x16xf32, #tpu.memory_space<vmem_shared>> -> memref<65536x16xf32, #tpu.memory_space<vmem_shared>>
        tpu.wait_indirect_dma semaphore(%run_scoped3A : memref<!tpu.dma_semaphore, #tpu.memory_space<semaphore_mem>>) src(%dma_wait3A_93 : memref<128x16xf32, #tpu.memory_space<vmem>>) dst(%dma_wait3A_99 : memref<65536x16xf32, #tpu.memory_space<vmem_shared>>)
        tpu.yield
      }) : () -> ()
      %mul3A_59 = arith.constant 8 : i32
      %mul3A_60 = arith.muli %scan3A_37, %mul3A_59 : i32
      %add3A_61 = arith.constant 2 : i32
      %add3A_62 = arith.addi %mul3A_60, %add3A_61 : i32
      "tpu.region"() ({
        %run_scoped3A = tpu.sem_alloc : memref<!tpu.dma_semaphore, #tpu.memory_space<semaphore_mem>>
        %dma_start3A = arith.constant 256 : i32
        %dma_start3A_84 = arith.constant 0 : i32
        %dma_start3A_85 = tpu.memref_slice %arg9[%dma_start3A, %dma_start3A_84] : memref<1024x16xf32, #tpu.memory_space<vmem>> -> memref<128x16xf32, #tpu.memory_space<vmem>>
        %dma_start3A_86 = arith.constant 0 : i32
        %dma_start3A_87 = tpu.memref_slice %arg8[%add3A_62, %dma_start3A_86] : memref<128x128xi32, #tpu.memory_space<vmem>> -> memref<1x128xi32, #tpu.memory_space<vmem>>
        %dma_start3A_88 = tpu.memref_squeeze %dma_start3A_87 : memref<1x128xi32, #tpu.memory_space<vmem>> -> memref<128xi32, #tpu.memory_space<vmem>>
        %dma_start3A_89 = arith.constant 0 : i32
        %dma_start3A_90 = arith.constant 0 : i32
        %dma_start3A_91 = tpu.memref_slice %arg7[%dma_start3A_89, %dma_start3A_90] : memref<65536x16xf32, #tpu.memory_space<vmem_shared>> -> memref<65536x16xf32, #tpu.memory_space<vmem_shared>>
        tpu.enqueue_indirect_dma source(%dma_start3A_85 : memref<128x16xf32, #tpu.memory_space<vmem>>) target(%dma_start3A_91 : memref<65536x16xf32, #tpu.memory_space<vmem_shared>>) offsets(%dma_start3A_88 : memref<128xi32, #tpu.memory_space<vmem>>) semaphore(%run_scoped3A : memref<!tpu.dma_semaphore, #tpu.memory_space<semaphore_mem>>) {add = true}
        %dma_wait3A = arith.constant 256 : i32
        %dma_wait3A_92 = arith.constant 0 : i32
        %dma_wait3A_93 = tpu.memref_slice %arg9[%dma_wait3A, %dma_wait3A_92] : memref<1024x16xf32, #tpu.memory_space<vmem>> -> memref<128x16xf32, #tpu.memory_space<vmem>>
        %dma_wait3A_94 = arith.constant 0 : i32
        %dma_wait3A_95 = tpu.memref_slice %arg8[%add3A_62, %dma_wait3A_94] : memref<128x128xi32, #tpu.memory_space<vmem>> -> memref<1x128xi32, #tpu.memory_space<vmem>>
        %dma_wait3A_96 = tpu.memref_squeeze %dma_wait3A_95 : memref<1x128xi32, #tpu.memory_space<vmem>> -> memref<128xi32, #tpu.memory_space<vmem>>
        %dma_wait3A_97 = arith.constant 0 : i32
        %dma_wait3A_98 = arith.constant 0 : i32
        %dma_wait3A_99 = tpu.memref_slice %arg7[%dma_wait3A_97, %dma_wait3A_98] : memref<65536x16xf32, #tpu.memory_space<vmem_shared>> -> memref<65536x16xf32, #tpu.memory_space<vmem_shared>>
        tpu.wait_indirect_dma semaphore(%run_scoped3A : memref<!tpu.dma_semaphore, #tpu.memory_space<semaphore_mem>>) src(%dma_wait3A_93 : memref<128x16xf32, #tpu.memory_space<vmem>>) dst(%dma_wait3A_99 : memref<65536x16xf32, #tpu.memory_space<vmem_shared>>)
        tpu.yield
      }) : () -> ()
      %mul3A_63 = arith.constant 8 : i32
      %mul3A_64 = arith.muli %scan3A_37, %mul3A_63 : i32
      %add3A_65 = arith.constant 3 : i32
      %add3A_66 = arith.addi %mul3A_64, %add3A_65 : i32
      "tpu.region"() ({
        %run_scoped3A = tpu.sem_alloc : memref<!tpu.dma_semaphore, #tpu.memory_space<semaphore_mem>>
        %dma_start3A = arith.constant 384 : i32
        %dma_start3A_84 = arith.constant 0 : i32
        %dma_start3A_85 = tpu.memref_slice %arg9[%dma_start3A, %dma_start3A_84] : memref<1024x16xf32, #tpu.memory_space<vmem>> -> memref<128x16xf32, #tpu.memory_space<vmem>>
        %dma_start3A_86 = arith.constant 0 : i32
        %dma_start3A_87 = tpu.memref_slice %arg8[%add3A_66, %dma_start3A_86] : memref<128x128xi32, #tpu.memory_space<vmem>> -> memref<1x128xi32, #tpu.memory_space<vmem>>
        %dma_start3A_88 = tpu.memref_squeeze %dma_start3A_87 : memref<1x128xi32, #tpu.memory_space<vmem>> -> memref<128xi32, #tpu.memory_space<vmem>>
        %dma_start3A_89 = arith.constant 0 : i32
        %dma_start3A_90 = arith.constant 0 : i32
        %dma_start3A_91 = tpu.memref_slice %arg7[%dma_start3A_89, %dma_start3A_90] : memref<65536x16xf32, #tpu.memory_space<vmem_shared>> -> memref<65536x16xf32, #tpu.memory_space<vmem_shared>>
        tpu.enqueue_indirect_dma source(%dma_start3A_85 : memref<128x16xf32, #tpu.memory_space<vmem>>) target(%dma_start3A_91 : memref<65536x16xf32, #tpu.memory_space<vmem_shared>>) offsets(%dma_start3A_88 : memref<128xi32, #tpu.memory_space<vmem>>) semaphore(%run_scoped3A : memref<!tpu.dma_semaphore, #tpu.memory_space<semaphore_mem>>) {add = true}
        %dma_wait3A = arith.constant 384 : i32
        %dma_wait3A_92 = arith.constant 0 : i32
        %dma_wait3A_93 = tpu.memref_slice %arg9[%dma_wait3A, %dma_wait3A_92] : memref<1024x16xf32, #tpu.memory_space<vmem>> -> memref<128x16xf32, #tpu.memory_space<vmem>>
        %dma_wait3A_94 = arith.constant 0 : i32
        %dma_wait3A_95 = tpu.memref_slice %arg8[%add3A_66, %dma_wait3A_94] : memref<128x128xi32, #tpu.memory_space<vmem>> -> memref<1x128xi32, #tpu.memory_space<vmem>>
        %dma_wait3A_96 = tpu.memref_squeeze %dma_wait3A_95 : memref<1x128xi32, #tpu.memory_space<vmem>> -> memref<128xi32, #tpu.memory_space<vmem>>
        %dma_wait3A_97 = arith.constant 0 : i32
        %dma_wait3A_98 = arith.constant 0 : i32
        %dma_wait3A_99 = tpu.memref_slice %arg7[%dma_wait3A_97, %dma_wait3A_98] : memref<65536x16xf32, #tpu.memory_space<vmem_shared>> -> memref<65536x16xf32, #tpu.memory_space<vmem_shared>>
        tpu.wait_indirect_dma semaphore(%run_scoped3A : memref<!tpu.dma_semaphore, #tpu.memory_space<semaphore_mem>>) src(%dma_wait3A_93 : memref<128x16xf32, #tpu.memory_space<vmem>>) dst(%dma_wait3A_99 : memref<65536x16xf32, #tpu.memory_space<vmem_shared>>)
        tpu.yield
      }) : () -> ()
      %mul3A_67 = arith.constant 8 : i32
      %mul3A_68 = arith.muli %scan3A_37, %mul3A_67 : i32
      %add3A_69 = arith.constant 4 : i32
      %add3A_70 = arith.addi %mul3A_68, %add3A_69 : i32
      "tpu.region"() ({
        %run_scoped3A = tpu.sem_alloc : memref<!tpu.dma_semaphore, #tpu.memory_space<semaphore_mem>>
        %dma_start3A = arith.constant 512 : i32
        %dma_start3A_84 = arith.constant 0 : i32
        %dma_start3A_85 = tpu.memref_slice %arg9[%dma_start3A, %dma_start3A_84] : memref<1024x16xf32, #tpu.memory_space<vmem>> -> memref<128x16xf32, #tpu.memory_space<vmem>>
        %dma_start3A_86 = arith.constant 0 : i32
        %dma_start3A_87 = tpu.memref_slice %arg8[%add3A_70, %dma_start3A_86] : memref<128x128xi32, #tpu.memory_space<vmem>> -> memref<1x128xi32, #tpu.memory_space<vmem>>
        %dma_start3A_88 = tpu.memref_squeeze %dma_start3A_87 : memref<1x128xi32, #tpu.memory_space<vmem>> -> memref<128xi32, #tpu.memory_space<vmem>>
        %dma_start3A_89 = arith.constant 0 : i32
        %dma_start3A_90 = arith.constant 0 : i32
        %dma_start3A_91 = tpu.memref_slice %arg7[%dma_start3A_89, %dma_start3A_90] : memref<65536x16xf32, #tpu.memory_space<vmem_shared>> -> memref<65536x16xf32, #tpu.memory_space<vmem_shared>>
        tpu.enqueue_indirect_dma source(%dma_start3A_85 : memref<128x16xf32, #tpu.memory_space<vmem>>) target(%dma_start3A_91 : memref<65536x16xf32, #tpu.memory_space<vmem_shared>>) offsets(%dma_start3A_88 : memref<128xi32, #tpu.memory_space<vmem>>) semaphore(%run_scoped3A : memref<!tpu.dma_semaphore, #tpu.memory_space<semaphore_mem>>) {add = true}
        %dma_wait3A = arith.constant 512 : i32
        %dma_wait3A_92 = arith.constant 0 : i32
        %dma_wait3A_93 = tpu.memref_slice %arg9[%dma_wait3A, %dma_wait3A_92] : memref<1024x16xf32, #tpu.memory_space<vmem>> -> memref<128x16xf32, #tpu.memory_space<vmem>>
        %dma_wait3A_94 = arith.constant 0 : i32
        %dma_wait3A_95 = tpu.memref_slice %arg8[%add3A_70, %dma_wait3A_94] : memref<128x128xi32, #tpu.memory_space<vmem>> -> memref<1x128xi32, #tpu.memory_space<vmem>>
        %dma_wait3A_96 = tpu.memref_squeeze %dma_wait3A_95 : memref<1x128xi32, #tpu.memory_space<vmem>> -> memref<128xi32, #tpu.memory_space<vmem>>
        %dma_wait3A_97 = arith.constant 0 : i32
        %dma_wait3A_98 = arith.constant 0 : i32
        %dma_wait3A_99 = tpu.memref_slice %arg7[%dma_wait3A_97, %dma_wait3A_98] : memref<65536x16xf32, #tpu.memory_space<vmem_shared>> -> memref<65536x16xf32, #tpu.memory_space<vmem_shared>>
        tpu.wait_indirect_dma semaphore(%run_scoped3A : memref<!tpu.dma_semaphore, #tpu.memory_space<semaphore_mem>>) src(%dma_wait3A_93 : memref<128x16xf32, #tpu.memory_space<vmem>>) dst(%dma_wait3A_99 : memref<65536x16xf32, #tpu.memory_space<vmem_shared>>)
        tpu.yield
      }) : () -> ()
      %mul3A_71 = arith.constant 8 : i32
      %mul3A_72 = arith.muli %scan3A_37, %mul3A_71 : i32
      %add3A_73 = arith.constant 5 : i32
      %add3A_74 = arith.addi %mul3A_72, %add3A_73 : i32
      "tpu.region"() ({
        %run_scoped3A = tpu.sem_alloc : memref<!tpu.dma_semaphore, #tpu.memory_space<semaphore_mem>>
        %dma_start3A = arith.constant 640 : i32
        %dma_start3A_84 = arith.constant 0 : i32
        %dma_start3A_85 = tpu.memref_slice %arg9[%dma_start3A, %dma_start3A_84] : memref<1024x16xf32, #tpu.memory_space<vmem>> -> memref<128x16xf32, #tpu.memory_space<vmem>>
        %dma_start3A_86 = arith.constant 0 : i32
        %dma_start3A_87 = tpu.memref_slice %arg8[%add3A_74, %dma_start3A_86] : memref<128x128xi32, #tpu.memory_space<vmem>> -> memref<1x128xi32, #tpu.memory_space<vmem>>
        %dma_start3A_88 = tpu.memref_squeeze %dma_start3A_87 : memref<1x128xi32, #tpu.memory_space<vmem>> -> memref<128xi32, #tpu.memory_space<vmem>>
        %dma_start3A_89 = arith.constant 0 : i32
        %dma_start3A_90 = arith.constant 0 : i32
        %dma_start3A_91 = tpu.memref_slice %arg7[%dma_start3A_89, %dma_start3A_90] : memref<65536x16xf32, #tpu.memory_space<vmem_shared>> -> memref<65536x16xf32, #tpu.memory_space<vmem_shared>>
        tpu.enqueue_indirect_dma source(%dma_start3A_85 : memref<128x16xf32, #tpu.memory_space<vmem>>) target(%dma_start3A_91 : memref<65536x16xf32, #tpu.memory_space<vmem_shared>>) offsets(%dma_start3A_88 : memref<128xi32, #tpu.memory_space<vmem>>) semaphore(%run_scoped3A : memref<!tpu.dma_semaphore, #tpu.memory_space<semaphore_mem>>) {add = true}
        %dma_wait3A = arith.constant 640 : i32
        %dma_wait3A_92 = arith.constant 0 : i32
        %dma_wait3A_93 = tpu.memref_slice %arg9[%dma_wait3A, %dma_wait3A_92] : memref<1024x16xf32, #tpu.memory_space<vmem>> -> memref<128x16xf32, #tpu.memory_space<vmem>>
        %dma_wait3A_94 = arith.constant 0 : i32
        %dma_wait3A_95 = tpu.memref_slice %arg8[%add3A_74, %dma_wait3A_94] : memref<128x128xi32, #tpu.memory_space<vmem>> -> memref<1x128xi32, #tpu.memory_space<vmem>>
        %dma_wait3A_96 = tpu.memref_squeeze %dma_wait3A_95 : memref<1x128xi32, #tpu.memory_space<vmem>> -> memref<128xi32, #tpu.memory_space<vmem>>
        %dma_wait3A_97 = arith.constant 0 : i32
        %dma_wait3A_98 = arith.constant 0 : i32
        %dma_wait3A_99 = tpu.memref_slice %arg7[%dma_wait3A_97, %dma_wait3A_98] : memref<65536x16xf32, #tpu.memory_space<vmem_shared>> -> memref<65536x16xf32, #tpu.memory_space<vmem_shared>>
        tpu.wait_indirect_dma semaphore(%run_scoped3A : memref<!tpu.dma_semaphore, #tpu.memory_space<semaphore_mem>>) src(%dma_wait3A_93 : memref<128x16xf32, #tpu.memory_space<vmem>>) dst(%dma_wait3A_99 : memref<65536x16xf32, #tpu.memory_space<vmem_shared>>)
        tpu.yield
      }) : () -> ()
      %mul3A_75 = arith.constant 8 : i32
      %mul3A_76 = arith.muli %scan3A_37, %mul3A_75 : i32
      %add3A_77 = arith.constant 6 : i32
      %add3A_78 = arith.addi %mul3A_76, %add3A_77 : i32
      "tpu.region"() ({
        %run_scoped3A = tpu.sem_alloc : memref<!tpu.dma_semaphore, #tpu.memory_space<semaphore_mem>>
        %dma_start3A = arith.constant 768 : i32
        %dma_start3A_84 = arith.constant 0 : i32
        %dma_start3A_85 = tpu.memref_slice %arg9[%dma_start3A, %dma_start3A_84] : memref<1024x16xf32, #tpu.memory_space<vmem>> -> memref<128x16xf32, #tpu.memory_space<vmem>>
        %dma_start3A_86 = arith.constant 0 : i32
        %dma_start3A_87 = tpu.memref_slice %arg8[%add3A_78, %dma_start3A_86] : memref<128x128xi32, #tpu.memory_space<vmem>> -> memref<1x128xi32, #tpu.memory_space<vmem>>
        %dma_start3A_88 = tpu.memref_squeeze %dma_start3A_87 : memref<1x128xi32, #tpu.memory_space<vmem>> -> memref<128xi32, #tpu.memory_space<vmem>>
        %dma_start3A_89 = arith.constant 0 : i32
        %dma_start3A_90 = arith.constant 0 : i32
        %dma_start3A_91 = tpu.memref_slice %arg7[%dma_start3A_89, %dma_start3A_90] : memref<65536x16xf32, #tpu.memory_space<vmem_shared>> -> memref<65536x16xf32, #tpu.memory_space<vmem_shared>>
        tpu.enqueue_indirect_dma source(%dma_start3A_85 : memref<128x16xf32, #tpu.memory_space<vmem>>) target(%dma_start3A_91 : memref<65536x16xf32, #tpu.memory_space<vmem_shared>>) offsets(%dma_start3A_88 : memref<128xi32, #tpu.memory_space<vmem>>) semaphore(%run_scoped3A : memref<!tpu.dma_semaphore, #tpu.memory_space<semaphore_mem>>) {add = true}
        %dma_wait3A = arith.constant 768 : i32
        %dma_wait3A_92 = arith.constant 0 : i32
        %dma_wait3A_93 = tpu.memref_slice %arg9[%dma_wait3A, %dma_wait3A_92] : memref<1024x16xf32, #tpu.memory_space<vmem>> -> memref<128x16xf32, #tpu.memory_space<vmem>>
        %dma_wait3A_94 = arith.constant 0 : i32
        %dma_wait3A_95 = tpu.memref_slice %arg8[%add3A_78, %dma_wait3A_94] : memref<128x128xi32, #tpu.memory_space<vmem>> -> memref<1x128xi32, #tpu.memory_space<vmem>>
        %dma_wait3A_96 = tpu.memref_squeeze %dma_wait3A_95 : memref<1x128xi32, #tpu.memory_space<vmem>> -> memref<128xi32, #tpu.memory_space<vmem>>
        %dma_wait3A_97 = arith.constant 0 : i32
        %dma_wait3A_98 = arith.constant 0 : i32
        %dma_wait3A_99 = tpu.memref_slice %arg7[%dma_wait3A_97, %dma_wait3A_98] : memref<65536x16xf32, #tpu.memory_space<vmem_shared>> -> memref<65536x16xf32, #tpu.memory_space<vmem_shared>>
        tpu.wait_indirect_dma semaphore(%run_scoped3A : memref<!tpu.dma_semaphore, #tpu.memory_space<semaphore_mem>>) src(%dma_wait3A_93 : memref<128x16xf32, #tpu.memory_space<vmem>>) dst(%dma_wait3A_99 : memref<65536x16xf32, #tpu.memory_space<vmem_shared>>)
        tpu.yield
      }) : () -> ()
      %mul3A_79 = arith.constant 8 : i32
      %mul3A_80 = arith.muli %scan3A_37, %mul3A_79 : i32
      %add3A_81 = arith.constant 7 : i32
      %add3A_82 = arith.addi %mul3A_80, %add3A_81 : i32
      "tpu.region"() ({
        %run_scoped3A = tpu.sem_alloc : memref<!tpu.dma_semaphore, #tpu.memory_space<semaphore_mem>>
        %dma_start3A = arith.constant 896 : i32
        %dma_start3A_84 = arith.constant 0 : i32
        %dma_start3A_85 = tpu.memref_slice %arg9[%dma_start3A, %dma_start3A_84] : memref<1024x16xf32, #tpu.memory_space<vmem>> -> memref<128x16xf32, #tpu.memory_space<vmem>>
        %dma_start3A_86 = arith.constant 0 : i32
        %dma_start3A_87 = tpu.memref_slice %arg8[%add3A_82, %dma_start3A_86] : memref<128x128xi32, #tpu.memory_space<vmem>> -> memref<1x128xi32, #tpu.memory_space<vmem>>
        %dma_start3A_88 = tpu.memref_squeeze %dma_start3A_87 : memref<1x128xi32, #tpu.memory_space<vmem>> -> memref<128xi32, #tpu.memory_space<vmem>>
        %dma_start3A_89 = arith.constant 0 : i32
        %dma_start3A_90 = arith.constant 0 : i32
        %dma_start3A_91 = tpu.memref_slice %arg7[%dma_start3A_89, %dma_start3A_90] : memref<65536x16xf32, #tpu.memory_space<vmem_shared>> -> memref<65536x16xf32, #tpu.memory_space<vmem_shared>>
        tpu.enqueue_indirect_dma source(%dma_start3A_85 : memref<128x16xf32, #tpu.memory_space<vmem>>) target(%dma_start3A_91 : memref<65536x16xf32, #tpu.memory_space<vmem_shared>>) offsets(%dma_start3A_88 : memref<128xi32, #tpu.memory_space<vmem>>) semaphore(%run_scoped3A : memref<!tpu.dma_semaphore, #tpu.memory_space<semaphore_mem>>) {add = true}
        %dma_wait3A = arith.constant 896 : i32
        %dma_wait3A_92 = arith.constant 0 : i32
        %dma_wait3A_93 = tpu.memref_slice %arg9[%dma_wait3A, %dma_wait3A_92] : memref<1024x16xf32, #tpu.memory_space<vmem>> -> memref<128x16xf32, #tpu.memory_space<vmem>>
        %dma_wait3A_94 = arith.constant 0 : i32
        %dma_wait3A_95 = tpu.memref_slice %arg8[%add3A_82, %dma_wait3A_94] : memref<128x128xi32, #tpu.memory_space<vmem>> -> memref<1x128xi32, #tpu.memory_space<vmem>>
        %dma_wait3A_96 = tpu.memref_squeeze %dma_wait3A_95 : memref<1x128xi32, #tpu.memory_space<vmem>> -> memref<128xi32, #tpu.memory_space<vmem>>
        %dma_wait3A_97 = arith.constant 0 : i32
        %dma_wait3A_98 = arith.constant 0 : i32
        %dma_wait3A_99 = tpu.memref_slice %arg7[%dma_wait3A_97, %dma_wait3A_98] : memref<65536x16xf32, #tpu.memory_space<vmem_shared>> -> memref<65536x16xf32, #tpu.memory_space<vmem_shared>>
        tpu.wait_indirect_dma semaphore(%run_scoped3A : memref<!tpu.dma_semaphore, #tpu.memory_space<semaphore_mem>>) src(%dma_wait3A_93 : memref<128x16xf32, #tpu.memory_space<vmem>>) dst(%dma_wait3A_99 : memref<65536x16xf32, #tpu.memory_space<vmem_shared>>)
        tpu.yield
      }) : () -> ()
      %scan3A_83 = arith.constant 0 : i32
      scf.yield %scan3A_83 : i32
    }
    %scan3A_28 = arith.constant 16 : i32
    %barrier3A_29 = arith.constant 0 : index
    tpu.barrier barrier_id(%barrier3A_29)
    %scan3A_30 = arith.constant 0 : i32
    %scan3A_31 = arith.constant 0 : i32
    %scan3A_32 = arith.constant 16 : i32
    %scan3A_33 = arith.addi %scan3A_31, %scan3A_32 : i32
    %scan3A_34 = arith.constant 1 : i32
    %scan3A_35 = scf.for %scan3A_37 = %scan3A_31 to %scan3A_33 step %scan3A_34 iter_args(%scan3A_38 = %scan3A_30) -> (i32)  : i32 {
      %mul3A_39 = arith.constant 16384 : i32
      %mul3A_40 = arith.muli %arg1, %mul3A_39 : i32
      %mul3A_41 = arith.constant 1024 : i32
      %mul3A_42 = arith.muli %scan3A_37, %mul3A_41 : i32
      %add3A_43 = arith.addi %mul3A_40, %mul3A_42 : i32
      %mul3A_44 = arith.constant 8 : i32
      %mul3A_45 = arith.muli %scan3A_37, %mul3A_44 : i32
      %add3A_46 = arith.constant 0 : i32
      %add3A_47 = arith.addi %mul3A_45, %add3A_46 : i32
      "tpu.region"() ({
        %run_scoped3A = tpu.sem_alloc : memref<!tpu.dma_semaphore, #tpu.memory_space<semaphore_mem>>
        %dma_start3A = arith.constant 0 : i32
        %dma_start3A_84 = arith.constant 0 : i32
        %dma_start3A_85 = tpu.memref_slice %arg10[%dma_start3A, %dma_start3A_84] : memref<1024x16xf32, #tpu.memory_space<vmem>> -> memref<128x16xf32, #tpu.memory_space<vmem>>
        %dma_start3A_86 = arith.constant 0 : i32
        %dma_start3A_87 = tpu.memref_slice %arg8[%add3A_47, %dma_start3A_86] : memref<128x128xi32, #tpu.memory_space<vmem>> -> memref<1x128xi32, #tpu.memory_space<vmem>>
        %dma_start3A_88 = tpu.memref_squeeze %dma_start3A_87 : memref<1x128xi32, #tpu.memory_space<vmem>> -> memref<128xi32, #tpu.memory_space<vmem>>
        %dma_start3A_89 = arith.constant 0 : i32
        %dma_start3A_90 = arith.constant 0 : i32
        %dma_start3A_91 = tpu.memref_slice %arg7[%dma_start3A_89, %dma_start3A_90] : memref<65536x16xf32, #tpu.memory_space<vmem_shared>> -> memref<65536x16xf32, #tpu.memory_space<vmem_shared>>
        tpu.enqueue_indirect_dma source(%dma_start3A_91 : memref<65536x16xf32, #tpu.memory_space<vmem_shared>>) target(%dma_start3A_85 : memref<128x16xf32, #tpu.memory_space<vmem>>) offsets(%dma_start3A_88 : memref<128xi32, #tpu.memory_space<vmem>>) semaphore(%run_scoped3A : memref<!tpu.dma_semaphore, #tpu.memory_space<semaphore_mem>>)
        %dma_wait3A = arith.constant 0 : i32
        %dma_wait3A_92 = arith.constant 0 : i32
        %dma_wait3A_93 = tpu.memref_slice %arg10[%dma_wait3A, %dma_wait3A_92] : memref<1024x16xf32, #tpu.memory_space<vmem>> -> memref<128x16xf32, #tpu.memory_space<vmem>>
        %dma_wait3A_94 = arith.constant 0 : i32
        %dma_wait3A_95 = tpu.memref_slice %arg8[%add3A_47, %dma_wait3A_94] : memref<128x128xi32, #tpu.memory_space<vmem>> -> memref<1x128xi32, #tpu.memory_space<vmem>>
        %dma_wait3A_96 = tpu.memref_squeeze %dma_wait3A_95 : memref<1x128xi32, #tpu.memory_space<vmem>> -> memref<128xi32, #tpu.memory_space<vmem>>
        %dma_wait3A_97 = arith.constant 0 : i32
        %dma_wait3A_98 = arith.constant 0 : i32
        %dma_wait3A_99 = tpu.memref_slice %arg7[%dma_wait3A_97, %dma_wait3A_98] : memref<65536x16xf32, #tpu.memory_space<vmem_shared>> -> memref<65536x16xf32, #tpu.memory_space<vmem_shared>>
        tpu.wait_indirect_dma semaphore(%run_scoped3A : memref<!tpu.dma_semaphore, #tpu.memory_space<semaphore_mem>>) src(%dma_wait3A_99 : memref<65536x16xf32, #tpu.memory_space<vmem_shared>>) dst(%dma_wait3A_93 : memref<128x16xf32, #tpu.memory_space<vmem>>)
        tpu.yield
      }) : () -> ()
      %mul3A_48 = arith.constant 8 : i32
      %mul3A_49 = arith.muli %scan3A_37, %mul3A_48 : i32
      %add3A_50 = arith.constant 1 : i32
      %add3A_51 = arith.addi %mul3A_49, %add3A_50 : i32
      "tpu.region"() ({
        %run_scoped3A = tpu.sem_alloc : memref<!tpu.dma_semaphore, #tpu.memory_space<semaphore_mem>>
        %dma_start3A = arith.constant 128 : i32
        %dma_start3A_84 = arith.constant 0 : i32
        %dma_start3A_85 = tpu.memref_slice %arg10[%dma_start3A, %dma_start3A_84] : memref<1024x16xf32, #tpu.memory_space<vmem>> -> memref<128x16xf32, #tpu.memory_space<vmem>>
        %dma_start3A_86 = arith.constant 0 : i32
        %dma_start3A_87 = tpu.memref_slice %arg8[%add3A_51, %dma_start3A_86] : memref<128x128xi32, #tpu.memory_space<vmem>> -> memref<1x128xi32, #tpu.memory_space<vmem>>
        %dma_start3A_88 = tpu.memref_squeeze %dma_start3A_87 : memref<1x128xi32, #tpu.memory_space<vmem>> -> memref<128xi32, #tpu.memory_space<vmem>>
        %dma_start3A_89 = arith.constant 0 : i32
        %dma_start3A_90 = arith.constant 0 : i32
        %dma_start3A_91 = tpu.memref_slice %arg7[%dma_start3A_89, %dma_start3A_90] : memref<65536x16xf32, #tpu.memory_space<vmem_shared>> -> memref<65536x16xf32, #tpu.memory_space<vmem_shared>>
        tpu.enqueue_indirect_dma source(%dma_start3A_91 : memref<65536x16xf32, #tpu.memory_space<vmem_shared>>) target(%dma_start3A_85 : memref<128x16xf32, #tpu.memory_space<vmem>>) offsets(%dma_start3A_88 : memref<128xi32, #tpu.memory_space<vmem>>) semaphore(%run_scoped3A : memref<!tpu.dma_semaphore, #tpu.memory_space<semaphore_mem>>)
        %dma_wait3A = arith.constant 128 : i32
        %dma_wait3A_92 = arith.constant 0 : i32
        %dma_wait3A_93 = tpu.memref_slice %arg10[%dma_wait3A, %dma_wait3A_92] : memref<1024x16xf32, #tpu.memory_space<vmem>> -> memref<128x16xf32, #tpu.memory_space<vmem>>
        %dma_wait3A_94 = arith.constant 0 : i32
        %dma_wait3A_95 = tpu.memref_slice %arg8[%add3A_51, %dma_wait3A_94] : memref<128x128xi32, #tpu.memory_space<vmem>> -> memref<1x128xi32, #tpu.memory_space<vmem>>
        %dma_wait3A_96 = tpu.memref_squeeze %dma_wait3A_95 : memref<1x128xi32, #tpu.memory_space<vmem>> -> memref<128xi32, #tpu.memory_space<vmem>>
        %dma_wait3A_97 = arith.constant 0 : i32
        %dma_wait3A_98 = arith.constant 0 : i32
        %dma_wait3A_99 = tpu.memref_slice %arg7[%dma_wait3A_97, %dma_wait3A_98] : memref<65536x16xf32, #tpu.memory_space<vmem_shared>> -> memref<65536x16xf32, #tpu.memory_space<vmem_shared>>
        tpu.wait_indirect_dma semaphore(%run_scoped3A : memref<!tpu.dma_semaphore, #tpu.memory_space<semaphore_mem>>) src(%dma_wait3A_99 : memref<65536x16xf32, #tpu.memory_space<vmem_shared>>) dst(%dma_wait3A_93 : memref<128x16xf32, #tpu.memory_space<vmem>>)
        tpu.yield
      }) : () -> ()
      %mul3A_52 = arith.constant 8 : i32
      %mul3A_53 = arith.muli %scan3A_37, %mul3A_52 : i32
      %add3A_54 = arith.constant 2 : i32
      %add3A_55 = arith.addi %mul3A_53, %add3A_54 : i32
      "tpu.region"() ({
        %run_scoped3A = tpu.sem_alloc : memref<!tpu.dma_semaphore, #tpu.memory_space<semaphore_mem>>
        %dma_start3A = arith.constant 256 : i32
        %dma_start3A_84 = arith.constant 0 : i32
        %dma_start3A_85 = tpu.memref_slice %arg10[%dma_start3A, %dma_start3A_84] : memref<1024x16xf32, #tpu.memory_space<vmem>> -> memref<128x16xf32, #tpu.memory_space<vmem>>
        %dma_start3A_86 = arith.constant 0 : i32
        %dma_start3A_87 = tpu.memref_slice %arg8[%add3A_55, %dma_start3A_86] : memref<128x128xi32, #tpu.memory_space<vmem>> -> memref<1x128xi32, #tpu.memory_space<vmem>>
        %dma_start3A_88 = tpu.memref_squeeze %dma_start3A_87 : memref<1x128xi32, #tpu.memory_space<vmem>> -> memref<128xi32, #tpu.memory_space<vmem>>
        %dma_start3A_89 = arith.constant 0 : i32
        %dma_start3A_90 = arith.constant 0 : i32
        %dma_start3A_91 = tpu.memref_slice %arg7[%dma_start3A_89, %dma_start3A_90] : memref<65536x16xf32, #tpu.memory_space<vmem_shared>> -> memref<65536x16xf32, #tpu.memory_space<vmem_shared>>
        tpu.enqueue_indirect_dma source(%dma_start3A_91 : memref<65536x16xf32, #tpu.memory_space<vmem_shared>>) target(%dma_start3A_85 : memref<128x16xf32, #tpu.memory_space<vmem>>) offsets(%dma_start3A_88 : memref<128xi32, #tpu.memory_space<vmem>>) semaphore(%run_scoped3A : memref<!tpu.dma_semaphore, #tpu.memory_space<semaphore_mem>>)
        %dma_wait3A = arith.constant 256 : i32
        %dma_wait3A_92 = arith.constant 0 : i32
        %dma_wait3A_93 = tpu.memref_slice %arg10[%dma_wait3A, %dma_wait3A_92] : memref<1024x16xf32, #tpu.memory_space<vmem>> -> memref<128x16xf32, #tpu.memory_space<vmem>>
        %dma_wait3A_94 = arith.constant 0 : i32
        %dma_wait3A_95 = tpu.memref_slice %arg8[%add3A_55, %dma_wait3A_94] : memref<128x128xi32, #tpu.memory_space<vmem>> -> memref<1x128xi32, #tpu.memory_space<vmem>>
        %dma_wait3A_96 = tpu.memref_squeeze %dma_wait3A_95 : memref<1x128xi32, #tpu.memory_space<vmem>> -> memref<128xi32, #tpu.memory_space<vmem>>
        %dma_wait3A_97 = arith.constant 0 : i32
        %dma_wait3A_98 = arith.constant 0 : i32
        %dma_wait3A_99 = tpu.memref_slice %arg7[%dma_wait3A_97, %dma_wait3A_98] : memref<65536x16xf32, #tpu.memory_space<vmem_shared>> -> memref<65536x16xf32, #tpu.memory_space<vmem_shared>>
        tpu.wait_indirect_dma semaphore(%run_scoped3A : memref<!tpu.dma_semaphore, #tpu.memory_space<semaphore_mem>>) src(%dma_wait3A_99 : memref<65536x16xf32, #tpu.memory_space<vmem_shared>>) dst(%dma_wait3A_93 : memref<128x16xf32, #tpu.memory_space<vmem>>)
        tpu.yield
      }) : () -> ()
      %mul3A_56 = arith.constant 8 : i32
      %mul3A_57 = arith.muli %scan3A_37, %mul3A_56 : i32
      %add3A_58 = arith.constant 3 : i32
      %add3A_59 = arith.addi %mul3A_57, %add3A_58 : i32
      "tpu.region"() ({
        %run_scoped3A = tpu.sem_alloc : memref<!tpu.dma_semaphore, #tpu.memory_space<semaphore_mem>>
        %dma_start3A = arith.constant 384 : i32
        %dma_start3A_84 = arith.constant 0 : i32
        %dma_start3A_85 = tpu.memref_slice %arg10[%dma_start3A, %dma_start3A_84] : memref<1024x16xf32, #tpu.memory_space<vmem>> -> memref<128x16xf32, #tpu.memory_space<vmem>>
        %dma_start3A_86 = arith.constant 0 : i32
        %dma_start3A_87 = tpu.memref_slice %arg8[%add3A_59, %dma_start3A_86] : memref<128x128xi32, #tpu.memory_space<vmem>> -> memref<1x128xi32, #tpu.memory_space<vmem>>
        %dma_start3A_88 = tpu.memref_squeeze %dma_start3A_87 : memref<1x128xi32, #tpu.memory_space<vmem>> -> memref<128xi32, #tpu.memory_space<vmem>>
        %dma_start3A_89 = arith.constant 0 : i32
        %dma_start3A_90 = arith.constant 0 : i32
        %dma_start3A_91 = tpu.memref_slice %arg7[%dma_start3A_89, %dma_start3A_90] : memref<65536x16xf32, #tpu.memory_space<vmem_shared>> -> memref<65536x16xf32, #tpu.memory_space<vmem_shared>>
        tpu.enqueue_indirect_dma source(%dma_start3A_91 : memref<65536x16xf32, #tpu.memory_space<vmem_shared>>) target(%dma_start3A_85 : memref<128x16xf32, #tpu.memory_space<vmem>>) offsets(%dma_start3A_88 : memref<128xi32, #tpu.memory_space<vmem>>) semaphore(%run_scoped3A : memref<!tpu.dma_semaphore, #tpu.memory_space<semaphore_mem>>)
        %dma_wait3A = arith.constant 384 : i32
        %dma_wait3A_92 = arith.constant 0 : i32
        %dma_wait3A_93 = tpu.memref_slice %arg10[%dma_wait3A, %dma_wait3A_92] : memref<1024x16xf32, #tpu.memory_space<vmem>> -> memref<128x16xf32, #tpu.memory_space<vmem>>
        %dma_wait3A_94 = arith.constant 0 : i32
        %dma_wait3A_95 = tpu.memref_slice %arg8[%add3A_59, %dma_wait3A_94] : memref<128x128xi32, #tpu.memory_space<vmem>> -> memref<1x128xi32, #tpu.memory_space<vmem>>
        %dma_wait3A_96 = tpu.memref_squeeze %dma_wait3A_95 : memref<1x128xi32, #tpu.memory_space<vmem>> -> memref<128xi32, #tpu.memory_space<vmem>>
        %dma_wait3A_97 = arith.constant 0 : i32
        %dma_wait3A_98 = arith.constant 0 : i32
        %dma_wait3A_99 = tpu.memref_slice %arg7[%dma_wait3A_97, %dma_wait3A_98] : memref<65536x16xf32, #tpu.memory_space<vmem_shared>> -> memref<65536x16xf32, #tpu.memory_space<vmem_shared>>
        tpu.wait_indirect_dma semaphore(%run_scoped3A : memref<!tpu.dma_semaphore, #tpu.memory_space<semaphore_mem>>) src(%dma_wait3A_99 : memref<65536x16xf32, #tpu.memory_space<vmem_shared>>) dst(%dma_wait3A_93 : memref<128x16xf32, #tpu.memory_space<vmem>>)
        tpu.yield
      }) : () -> ()
      %mul3A_60 = arith.constant 8 : i32
      %mul3A_61 = arith.muli %scan3A_37, %mul3A_60 : i32
      %add3A_62 = arith.constant 4 : i32
      %add3A_63 = arith.addi %mul3A_61, %add3A_62 : i32
      "tpu.region"() ({
        %run_scoped3A = tpu.sem_alloc : memref<!tpu.dma_semaphore, #tpu.memory_space<semaphore_mem>>
        %dma_start3A = arith.constant 512 : i32
        %dma_start3A_84 = arith.constant 0 : i32
        %dma_start3A_85 = tpu.memref_slice %arg10[%dma_start3A, %dma_start3A_84] : memref<1024x16xf32, #tpu.memory_space<vmem>> -> memref<128x16xf32, #tpu.memory_space<vmem>>
        %dma_start3A_86 = arith.constant 0 : i32
        %dma_start3A_87 = tpu.memref_slice %arg8[%add3A_63, %dma_start3A_86] : memref<128x128xi32, #tpu.memory_space<vmem>> -> memref<1x128xi32, #tpu.memory_space<vmem>>
        %dma_start3A_88 = tpu.memref_squeeze %dma_start3A_87 : memref<1x128xi32, #tpu.memory_space<vmem>> -> memref<128xi32, #tpu.memory_space<vmem>>
        %dma_start3A_89 = arith.constant 0 : i32
        %dma_start3A_90 = arith.constant 0 : i32
        %dma_start3A_91 = tpu.memref_slice %arg7[%dma_start3A_89, %dma_start3A_90] : memref<65536x16xf32, #tpu.memory_space<vmem_shared>> -> memref<65536x16xf32, #tpu.memory_space<vmem_shared>>
        tpu.enqueue_indirect_dma source(%dma_start3A_91 : memref<65536x16xf32, #tpu.memory_space<vmem_shared>>) target(%dma_start3A_85 : memref<128x16xf32, #tpu.memory_space<vmem>>) offsets(%dma_start3A_88 : memref<128xi32, #tpu.memory_space<vmem>>) semaphore(%run_scoped3A : memref<!tpu.dma_semaphore, #tpu.memory_space<semaphore_mem>>)
        %dma_wait3A = arith.constant 512 : i32
        %dma_wait3A_92 = arith.constant 0 : i32
        %dma_wait3A_93 = tpu.memref_slice %arg10[%dma_wait3A, %dma_wait3A_92] : memref<1024x16xf32, #tpu.memory_space<vmem>> -> memref<128x16xf32, #tpu.memory_space<vmem>>
        %dma_wait3A_94 = arith.constant 0 : i32
        %dma_wait3A_95 = tpu.memref_slice %arg8[%add3A_63, %dma_wait3A_94] : memref<128x128xi32, #tpu.memory_space<vmem>> -> memref<1x128xi32, #tpu.memory_space<vmem>>
        %dma_wait3A_96 = tpu.memref_squeeze %dma_wait3A_95 : memref<1x128xi32, #tpu.memory_space<vmem>> -> memref<128xi32, #tpu.memory_space<vmem>>
        %dma_wait3A_97 = arith.constant 0 : i32
        %dma_wait3A_98 = arith.constant 0 : i32
        %dma_wait3A_99 = tpu.memref_slice %arg7[%dma_wait3A_97, %dma_wait3A_98] : memref<65536x16xf32, #tpu.memory_space<vmem_shared>> -> memref<65536x16xf32, #tpu.memory_space<vmem_shared>>
        tpu.wait_indirect_dma semaphore(%run_scoped3A : memref<!tpu.dma_semaphore, #tpu.memory_space<semaphore_mem>>) src(%dma_wait3A_99 : memref<65536x16xf32, #tpu.memory_space<vmem_shared>>) dst(%dma_wait3A_93 : memref<128x16xf32, #tpu.memory_space<vmem>>)
        tpu.yield
      }) : () -> ()
      %mul3A_64 = arith.constant 8 : i32
      %mul3A_65 = arith.muli %scan3A_37, %mul3A_64 : i32
      %add3A_66 = arith.constant 5 : i32
      %add3A_67 = arith.addi %mul3A_65, %add3A_66 : i32
      "tpu.region"() ({
        %run_scoped3A = tpu.sem_alloc : memref<!tpu.dma_semaphore, #tpu.memory_space<semaphore_mem>>
        %dma_start3A = arith.constant 640 : i32
        %dma_start3A_84 = arith.constant 0 : i32
        %dma_start3A_85 = tpu.memref_slice %arg10[%dma_start3A, %dma_start3A_84] : memref<1024x16xf32, #tpu.memory_space<vmem>> -> memref<128x16xf32, #tpu.memory_space<vmem>>
        %dma_start3A_86 = arith.constant 0 : i32
        %dma_start3A_87 = tpu.memref_slice %arg8[%add3A_67, %dma_start3A_86] : memref<128x128xi32, #tpu.memory_space<vmem>> -> memref<1x128xi32, #tpu.memory_space<vmem>>
        %dma_start3A_88 = tpu.memref_squeeze %dma_start3A_87 : memref<1x128xi32, #tpu.memory_space<vmem>> -> memref<128xi32, #tpu.memory_space<vmem>>
        %dma_start3A_89 = arith.constant 0 : i32
        %dma_start3A_90 = arith.constant 0 : i32
        %dma_start3A_91 = tpu.memref_slice %arg7[%dma_start3A_89, %dma_start3A_90] : memref<65536x16xf32, #tpu.memory_space<vmem_shared>> -> memref<65536x16xf32, #tpu.memory_space<vmem_shared>>
        tpu.enqueue_indirect_dma source(%dma_start3A_91 : memref<65536x16xf32, #tpu.memory_space<vmem_shared>>) target(%dma_start3A_85 : memref<128x16xf32, #tpu.memory_space<vmem>>) offsets(%dma_start3A_88 : memref<128xi32, #tpu.memory_space<vmem>>) semaphore(%run_scoped3A : memref<!tpu.dma_semaphore, #tpu.memory_space<semaphore_mem>>)
        %dma_wait3A = arith.constant 640 : i32
        %dma_wait3A_92 = arith.constant 0 : i32
        %dma_wait3A_93 = tpu.memref_slice %arg10[%dma_wait3A, %dma_wait3A_92] : memref<1024x16xf32, #tpu.memory_space<vmem>> -> memref<128x16xf32, #tpu.memory_space<vmem>>
        %dma_wait3A_94 = arith.constant 0 : i32
        %dma_wait3A_95 = tpu.memref_slice %arg8[%add3A_67, %dma_wait3A_94] : memref<128x128xi32, #tpu.memory_space<vmem>> -> memref<1x128xi32, #tpu.memory_space<vmem>>
        %dma_wait3A_96 = tpu.memref_squeeze %dma_wait3A_95 : memref<1x128xi32, #tpu.memory_space<vmem>> -> memref<128xi32, #tpu.memory_space<vmem>>
        %dma_wait3A_97 = arith.constant 0 : i32
        %dma_wait3A_98 = arith.constant 0 : i32
        %dma_wait3A_99 = tpu.memref_slice %arg7[%dma_wait3A_97, %dma_wait3A_98] : memref<65536x16xf32, #tpu.memory_space<vmem_shared>> -> memref<65536x16xf32, #tpu.memory_space<vmem_shared>>
        tpu.wait_indirect_dma semaphore(%run_scoped3A : memref<!tpu.dma_semaphore, #tpu.memory_space<semaphore_mem>>) src(%dma_wait3A_99 : memref<65536x16xf32, #tpu.memory_space<vmem_shared>>) dst(%dma_wait3A_93 : memref<128x16xf32, #tpu.memory_space<vmem>>)
        tpu.yield
      }) : () -> ()
      %mul3A_68 = arith.constant 8 : i32
      %mul3A_69 = arith.muli %scan3A_37, %mul3A_68 : i32
      %add3A_70 = arith.constant 6 : i32
      %add3A_71 = arith.addi %mul3A_69, %add3A_70 : i32
      "tpu.region"() ({
        %run_scoped3A = tpu.sem_alloc : memref<!tpu.dma_semaphore, #tpu.memory_space<semaphore_mem>>
        %dma_start3A = arith.constant 768 : i32
        %dma_start3A_84 = arith.constant 0 : i32
        %dma_start3A_85 = tpu.memref_slice %arg10[%dma_start3A, %dma_start3A_84] : memref<1024x16xf32, #tpu.memory_space<vmem>> -> memref<128x16xf32, #tpu.memory_space<vmem>>
        %dma_start3A_86 = arith.constant 0 : i32
        %dma_start3A_87 = tpu.memref_slice %arg8[%add3A_71, %dma_start3A_86] : memref<128x128xi32, #tpu.memory_space<vmem>> -> memref<1x128xi32, #tpu.memory_space<vmem>>
        %dma_start3A_88 = tpu.memref_squeeze %dma_start3A_87 : memref<1x128xi32, #tpu.memory_space<vmem>> -> memref<128xi32, #tpu.memory_space<vmem>>
        %dma_start3A_89 = arith.constant 0 : i32
        %dma_start3A_90 = arith.constant 0 : i32
        %dma_start3A_91 = tpu.memref_slice %arg7[%dma_start3A_89, %dma_start3A_90] : memref<65536x16xf32, #tpu.memory_space<vmem_shared>> -> memref<65536x16xf32, #tpu.memory_space<vmem_shared>>
        tpu.enqueue_indirect_dma source(%dma_start3A_91 : memref<65536x16xf32, #tpu.memory_space<vmem_shared>>) target(%dma_start3A_85 : memref<128x16xf32, #tpu.memory_space<vmem>>) offsets(%dma_start3A_88 : memref<128xi32, #tpu.memory_space<vmem>>) semaphore(%run_scoped3A : memref<!tpu.dma_semaphore, #tpu.memory_space<semaphore_mem>>)
        %dma_wait3A = arith.constant 768 : i32
        %dma_wait3A_92 = arith.constant 0 : i32
        %dma_wait3A_93 = tpu.memref_slice %arg10[%dma_wait3A, %dma_wait3A_92] : memref<1024x16xf32, #tpu.memory_space<vmem>> -> memref<128x16xf32, #tpu.memory_space<vmem>>
        %dma_wait3A_94 = arith.constant 0 : i32
        %dma_wait3A_95 = tpu.memref_slice %arg8[%add3A_71, %dma_wait3A_94] : memref<128x128xi32, #tpu.memory_space<vmem>> -> memref<1x128xi32, #tpu.memory_space<vmem>>
        %dma_wait3A_96 = tpu.memref_squeeze %dma_wait3A_95 : memref<1x128xi32, #tpu.memory_space<vmem>> -> memref<128xi32, #tpu.memory_space<vmem>>
        %dma_wait3A_97 = arith.constant 0 : i32
        %dma_wait3A_98 = arith.constant 0 : i32
        %dma_wait3A_99 = tpu.memref_slice %arg7[%dma_wait3A_97, %dma_wait3A_98] : memref<65536x16xf32, #tpu.memory_space<vmem_shared>> -> memref<65536x16xf32, #tpu.memory_space<vmem_shared>>
        tpu.wait_indirect_dma semaphore(%run_scoped3A : memref<!tpu.dma_semaphore, #tpu.memory_space<semaphore_mem>>) src(%dma_wait3A_99 : memref<65536x16xf32, #tpu.memory_space<vmem_shared>>) dst(%dma_wait3A_93 : memref<128x16xf32, #tpu.memory_space<vmem>>)
        tpu.yield
      }) : () -> ()
      %mul3A_72 = arith.constant 8 : i32
      %mul3A_73 = arith.muli %scan3A_37, %mul3A_72 : i32
      %add3A_74 = arith.constant 7 : i32
      %add3A_75 = arith.addi %mul3A_73, %add3A_74 : i32
      "tpu.region"() ({
        %run_scoped3A = tpu.sem_alloc : memref<!tpu.dma_semaphore, #tpu.memory_space<semaphore_mem>>
        %dma_start3A = arith.constant 896 : i32
        %dma_start3A_84 = arith.constant 0 : i32
        %dma_start3A_85 = tpu.memref_slice %arg10[%dma_start3A, %dma_start3A_84] : memref<1024x16xf32, #tpu.memory_space<vmem>> -> memref<128x16xf32, #tpu.memory_space<vmem>>
        %dma_start3A_86 = arith.constant 0 : i32
        %dma_start3A_87 = tpu.memref_slice %arg8[%add3A_75, %dma_start3A_86] : memref<128x128xi32, #tpu.memory_space<vmem>> -> memref<1x128xi32, #tpu.memory_space<vmem>>
        %dma_start3A_88 = tpu.memref_squeeze %dma_start3A_87 : memref<1x128xi32, #tpu.memory_space<vmem>> -> memref<128xi32, #tpu.memory_space<vmem>>
        %dma_start3A_89 = arith.constant 0 : i32
        %dma_start3A_90 = arith.constant 0 : i32
        %dma_start3A_91 = tpu.memref_slice %arg7[%dma_start3A_89, %dma_start3A_90] : memref<65536x16xf32, #tpu.memory_space<vmem_shared>> -> memref<65536x16xf32, #tpu.memory_space<vmem_shared>>
        tpu.enqueue_indirect_dma source(%dma_start3A_91 : memref<65536x16xf32, #tpu.memory_space<vmem_shared>>) target(%dma_start3A_85 : memref<128x16xf32, #tpu.memory_space<vmem>>) offsets(%dma_start3A_88 : memref<128xi32, #tpu.memory_space<vmem>>) semaphore(%run_scoped3A : memref<!tpu.dma_semaphore, #tpu.memory_space<semaphore_mem>>)
        %dma_wait3A = arith.constant 896 : i32
        %dma_wait3A_92 = arith.constant 0 : i32
        %dma_wait3A_93 = tpu.memref_slice %arg10[%dma_wait3A, %dma_wait3A_92] : memref<1024x16xf32, #tpu.memory_space<vmem>> -> memref<128x16xf32, #tpu.memory_space<vmem>>
        %dma_wait3A_94 = arith.constant 0 : i32
        %dma_wait3A_95 = tpu.memref_slice %arg8[%add3A_75, %dma_wait3A_94] : memref<128x128xi32, #tpu.memory_space<vmem>> -> memref<1x128xi32, #tpu.memory_space<vmem>>
        %dma_wait3A_96 = tpu.memref_squeeze %dma_wait3A_95 : memref<1x128xi32, #tpu.memory_space<vmem>> -> memref<128xi32, #tpu.memory_space<vmem>>
        %dma_wait3A_97 = arith.constant 0 : i32
        %dma_wait3A_98 = arith.constant 0 : i32
        %dma_wait3A_99 = tpu.memref_slice %arg7[%dma_wait3A_97, %dma_wait3A_98] : memref<65536x16xf32, #tpu.memory_space<vmem_shared>> -> memref<65536x16xf32, #tpu.memory_space<vmem_shared>>
        tpu.wait_indirect_dma semaphore(%run_scoped3A : memref<!tpu.dma_semaphore, #tpu.memory_space<semaphore_mem>>) src(%dma_wait3A_99 : memref<65536x16xf32, #tpu.memory_space<vmem_shared>>) dst(%dma_wait3A_93 : memref<128x16xf32, #tpu.memory_space<vmem>>)
        tpu.yield
      }) : () -> ()
      %eq3A = arith.constant 0 : i32
      %eq3A_76 = arith.cmpi eq, %arg0, %eq3A : i32
      %convert_element_type3A = arith.extui %eq3A_76 : i1 to i32
      %cond3A = arith.constant 0 : i32
      %cond3A_77 = arith.cmpi ne, %convert_element_type3A, %cond3A : i32
      scf.if %cond3A_77 {
        "tpu.region"() ({
          %run_scoped3A = tpu.sem_alloc : memref<!tpu.dma_semaphore, #tpu.memory_space<semaphore_mem>>
          %dma_start3A = arith.constant 0 : i32
          %dma_start3A_84 = tpu.memref_slice %arg5[%add3A_43, %dma_start3A] : memref<262144x16xf32, #tpu.memory_space<hbm>> -> memref<1024x16xf32, #tpu.memory_space<hbm>>
          %dma_start3A_85 = arith.constant 0 : i32
          %dma_start3A_86 = tpu.memref_slice %arg5[%add3A_43, %dma_start3A_85] : memref<262144x16xf32, #tpu.memory_space<hbm>> -> memref<1024x16xf32, #tpu.memory_space<hbm>>
          tpu.enqueue_dma source(%arg10 : memref<1024x16xf32, #tpu.memory_space<vmem>>) target(%dma_start3A_86 : memref<1024x16xf32, #tpu.memory_space<hbm>>) target_semaphore(%run_scoped3A : memref<!tpu.dma_semaphore, #tpu.memory_space<semaphore_mem>>)
          %dma_wait3A = arith.constant 0 : i32
          %dma_wait3A_87 = tpu.memref_slice %arg5[%add3A_43, %dma_wait3A] : memref<262144x16xf32, #tpu.memory_space<hbm>> -> memref<1024x16xf32, #tpu.memory_space<hbm>>
          %dma_wait3A_88 = arith.constant 0 : i32
          %dma_wait3A_89 = tpu.memref_slice %arg5[%add3A_43, %dma_wait3A_88] : memref<262144x16xf32, #tpu.memory_space<hbm>> -> memref<1024x16xf32, #tpu.memory_space<hbm>>
          tpu.wait_dma2 semaphore(%run_scoped3A : memref<!tpu.dma_semaphore, #tpu.memory_space<semaphore_mem>>) src(%arg10 : memref<1024x16xf32, #tpu.memory_space<vmem>>) dst(%dma_wait3A_89 : memref<1024x16xf32, #tpu.memory_space<hbm>>)
          tpu.yield
        }) : () -> ()
      } else {
      }
      %eq3A_78 = arith.constant 1 : i32
      %eq3A_79 = arith.cmpi eq, %arg0, %eq3A_78 : i32
      %convert_element_type3A_80 = arith.extui %eq3A_79 : i1 to i32
      %cond3A_81 = arith.constant 0 : i32
      %cond3A_82 = arith.cmpi ne, %convert_element_type3A_80, %cond3A_81 : i32
      scf.if %cond3A_82 {
        "tpu.region"() ({
          %run_scoped3A = tpu.sem_alloc : memref<!tpu.dma_semaphore, #tpu.memory_space<semaphore_mem>>
          %dma_start3A = arith.constant 0 : i32
          %dma_start3A_84 = tpu.memref_slice %arg6[%add3A_43, %dma_start3A] : memref<262144x16xf32, #tpu.memory_space<hbm>> -> memref<1024x16xf32, #tpu.memory_space<hbm>>
          %dma_start3A_85 = arith.constant 0 : i32
          %dma_start3A_86 = tpu.memref_slice %arg6[%add3A_43, %dma_start3A_85] : memref<262144x16xf32, #tpu.memory_space<hbm>> -> memref<1024x16xf32, #tpu.memory_space<hbm>>
          tpu.enqueue_dma source(%arg10 : memref<1024x16xf32, #tpu.memory_space<vmem>>) target(%dma_start3A_86 : memref<1024x16xf32, #tpu.memory_space<hbm>>) target_semaphore(%run_scoped3A : memref<!tpu.dma_semaphore, #tpu.memory_space<semaphore_mem>>)
          %dma_wait3A = arith.constant 0 : i32
          %dma_wait3A_87 = tpu.memref_slice %arg6[%add3A_43, %dma_wait3A] : memref<262144x16xf32, #tpu.memory_space<hbm>> -> memref<1024x16xf32, #tpu.memory_space<hbm>>
          %dma_wait3A_88 = arith.constant 0 : i32
          %dma_wait3A_89 = tpu.memref_slice %arg6[%add3A_43, %dma_wait3A_88] : memref<262144x16xf32, #tpu.memory_space<hbm>> -> memref<1024x16xf32, #tpu.memory_space<hbm>>
          tpu.wait_dma2 semaphore(%run_scoped3A : memref<!tpu.dma_semaphore, #tpu.memory_space<semaphore_mem>>) src(%arg10 : memref<1024x16xf32, #tpu.memory_space<vmem>>) dst(%dma_wait3A_89 : memref<1024x16xf32, #tpu.memory_space<hbm>>)
          tpu.yield
        }) : () -> ()
      } else {
      }
      %scan3A_83 = arith.constant 0 : i32
      scf.yield %scan3A_83 : i32
    }
    %scan3A_36 = arith.constant 16 : i32
    return
  }
}

module attributes {stable_mosaic.version = 14 : i64} {
  func.func @_tc_body(%arg0: i32, %arg1: memref<1024x154xf32, #tpu.memory_space<vmem>>, %arg2: memref<1024x26xi32, #tpu.memory_space<vmem>>, %arg3: memref<154x32xf32, #tpu.memory_space<vmem>>, %arg4: memref<1x26xi32, #tpu.memory_space<vmem>>, %arg5: memref<1024x16xf32, #tpu.memory_space<vmem>>, %arg6: memref<1024x16xf32, #tpu.memory_space<vmem>>, %arg7: memref<1024x1xi32, #tpu.memory_space<vmem>>) attributes {dimension_semantics = [#tpu.dimension_semantics<parallel>], iteration_bounds = array<i64: 256>, scalar_prefetch = 0 : i64, scratch_operands = 0 : i64, tpu.core_type = #tpu.core_type<tc>, window_params = [{transform_indices = @transform_0, window_bounds = array<i64: 1024, 154>}, {transform_indices = @transform_1, window_bounds = array<i64: 1024, 26>}, {pipeline_mode = #tpu.pipeline_mode<synchronous>, transform_indices = @transform_2, window_bounds = array<i64: 154, 32>}, {pipeline_mode = #tpu.pipeline_mode<synchronous>, transform_indices = @transform_3, window_bounds = array<i64: 1, 26>}, {transform_indices = @transform_4, window_bounds = array<i64: 1024, 16>}, {transform_indices = @transform_5, window_bounds = array<i64: 1024, 16>}, {transform_indices = @transform_6, window_bounds = array<i64: 1024, 1>}]} {
    %get3A = arith.constant 0 : index
    %get3A_0 = arith.constant 0 : index
    %get3A_1 = vector.load %arg1[%get3A, %get3A_0] : memref<1024x154xf32, #tpu.memory_space<vmem>>, vector<1024x154xf32>
    %get3A_2 = arith.constant 0 : index
    %get3A_3 = arith.constant 0 : index
    %get3A_4 = vector.load %arg3[%get3A_2, %get3A_3] : memref<154x32xf32, #tpu.memory_space<vmem>>, vector<154x32xf32>
    %dot_general3A = arith.constant dense<0.000000e+00> : vector<1024x32xf32>
    %dot_general3A_5 = tpu.matmul %get3A_1, %get3A_4, %dot_general3A {dimension_numbers = #tpu.dot_dimension_numbers<[1], [0], [0], [1], [0, 0, 1, 1], [], []>, precision = #tpu.contract_precision<fp32>, transpose_lhs_hint = false} : vector<1024x154xf32>, vector<154x32xf32>, vector<1024x32xf32> -> vector<1024x32xf32>
    %slice3A = vector.extract_strided_slice %dot_general3A_5 {offsets = [0, 0], sizes = [1024, 16], strides = [1, 1]} : vector<1024x32xf32> to vector<1024x16xf32>
    %swap3A = arith.constant 0 : index
    %swap3A_6 = arith.constant 0 : index
    %swap3A_7 = vector.load %arg5[%swap3A, %swap3A_6] : memref<1024x16xf32, #tpu.memory_space<vmem>>, vector<1024x16xf32>
    tpu.vector_store %arg5[%swap3A, %swap3A_6], %slice3A {strides = array<i32>} : memref<1024x16xf32, #tpu.memory_space<vmem>>, vector<1024x16xf32>,
    %slice3A_8 = vector.extract_strided_slice %dot_general3A_5 {offsets = [0, 16], sizes = [1024, 16], strides = [1, 1]} : vector<1024x32xf32> to vector<1024x16xf32>
    %swap3A_9 = arith.constant 0 : index
    %swap3A_10 = arith.constant 0 : index
    %swap3A_11 = vector.load %arg6[%swap3A_9, %swap3A_10] : memref<1024x16xf32, #tpu.memory_space<vmem>>, vector<1024x16xf32>
    tpu.vector_store %arg6[%swap3A_9, %swap3A_10], %slice3A_8 {strides = array<i32>} : memref<1024x16xf32, #tpu.memory_space<vmem>>, vector<1024x16xf32>,
    %get3A_12 = arith.constant 0 : index
    %get3A_13 = arith.constant 0 : index
    %get3A_14 = vector.load %arg2[%get3A_12, %get3A_13] : memref<1024x26xi32, #tpu.memory_space<vmem>>, vector<1024x26xi32>
    %get3A_15 = arith.constant 0 : index
    %get3A_16 = arith.constant 0 : index
    %get3A_17 = vector.load %arg4[%get3A_15, %get3A_16] : memref<1x26xi32, #tpu.memory_space<vmem>>, vector<1x26xi32>
    %mul3A = vector.broadcast %get3A_17 : vector<1x26xi32> to vector<1024x26xi32>
    %mul3A_18 = arith.muli %get3A_14, %mul3A : vector<1024x26xi32>
    %reduce_sum3A = arith.constant dense<0> : vector<1024xi32>
    %reduce_sum3A_19 = vector.multi_reduction <add>, %mul3A_18, %reduce_sum3A [1] : vector<1024x26xi32> to vector<1024xi32>
    %broadcast_in_dim3A = vector.shape_cast %reduce_sum3A_19 : vector<1024xi32> to vector<1024x1xi32>
    %swap3A_20 = arith.constant 0 : index
    %swap3A_21 = arith.constant 0 : index
    %swap3A_22 = vector.load %arg7[%swap3A_20, %swap3A_21] : memref<1024x1xi32, #tpu.memory_space<vmem>>, vector<1024x1xi32>
    tpu.vector_store %arg7[%swap3A_20, %swap3A_21], %broadcast_in_dim3A {strides = array<i32>} : memref<1024x1xi32, #tpu.memory_space<vmem>>, vector<1024x1xi32>,
    return
  }
  func.func @transform_0(%arg0: i32) -> (i32, i32) {
    %c0_i32 = arith.constant 0 : i32
    %c0_i32_0 = arith.constant 0 : i32
    return %arg0, %c0_i32 : i32, i32
  }
  func.func @transform_1(%arg0: i32) -> (i32, i32) {
    %c0_i32 = arith.constant 0 : i32
    %c0_i32_0 = arith.constant 0 : i32
    return %arg0, %c0_i32 : i32, i32
  }
  func.func @transform_2(%arg0: i32) -> (i32, i32) {
    %c0_i32 = arith.constant 0 : i32
    %c0_i32_0 = arith.constant 0 : i32
    %c0_i32_1 = arith.constant 0 : i32
    return %c0_i32, %c0_i32_0 : i32, i32
  }
  func.func @transform_3(%arg0: i32) -> (i32, i32) {
    %c0_i32 = arith.constant 0 : i32
    %c0_i32_0 = arith.constant 0 : i32
    %c0_i32_1 = arith.constant 0 : i32
    return %c0_i32, %c0_i32_0 : i32, i32
  }
  func.func @transform_4(%arg0: i32) -> (i32, i32) {
    %c0_i32 = arith.constant 0 : i32
    %c0_i32_0 = arith.constant 0 : i32
    return %arg0, %c0_i32 : i32, i32
  }
  func.func @transform_5(%arg0: i32) -> (i32, i32) {
    %c0_i32 = arith.constant 0 : i32
    %c0_i32_0 = arith.constant 0 : i32
    return %arg0, %c0_i32 : i32, i32
  }
  func.func @transform_6(%arg0: i32) -> (i32, i32) {
    %c0_i32 = arith.constant 0 : i32
    %c0_i32_0 = arith.constant 0 : i32
    return %arg0, %c0_i32 : i32, i32
  }
}

</mosaic_0001>

<sc_bundles>
// kernel: kernel.4.cloned.1.call-start
scs
__scs_entry_jumppad:
0x0: {  	(pc) =	sbr.rel $0x88, $3  }
0x1: {  	(tag) =	ssettag $0x0;
	lr =	simm.s32 $0x1  }
0x2: {  	[smem:$0x3F9D] =	sst lr;
	_ =	strace $0xD0000000  }
0x3: {  	_ = 	snop  }
0x4: {  	_ = 	snop  }
0x5: {  	_ = 	snop  }
0x6: {  	_ = 	snop  }
0x7: {  	_ = 	snop  }
__scs_overlays_trampoline_lowered:
0x8: {  	[smem:$0x3FAC] =	sst s0  }
0x9: {  	[smem:$0x3FAD] =	sst s1  }
0xa: {  	[smem:$0x3FAE] =	sst s2  }
0xb: {  	[smem:$0x3FAF] =	sst s3  }
0xc: {  	[smem:$0x3FB0] =	sst s4  }
0xd: {  	[smem:$0x3FB1] =	sst s5  }
0xe: {  	[smem:$0x3FB2] =	sst s6  }
0xf: {  	[smem:$0x3FB3] =	sst s7  }
0x10: {  	[smem:$0x3FB4] =	sst s8  }
0x11: {  	[smem:$0x3FB5] =	sst s9;
	s0 =	simm.s32 @!p0 $0x0  }
0x12: {  	s1 =	sld [smem:$0x3F9B];
	s0 =	simm.s32 @p0 $0x1  }
0x13: {  	[smem:$0x3FB6] =	sst s0;
	s0 =	simm.s32 @!p1 $0x0  }
0x14: {  	s2 =	sld [smem:$0x3F9A];
	s0 =	simm.s32 @p1 $0x1  }
0x15: {  	[smem:$0x3FB7] =	sst s0;
	s0 =	simm.s32 @!p2 $0x0  }
0x16: {  	s3 =	sld [smem:$0x3FDB];
	s0 =	simm.s32 @p2 $0x1  }
0x17: {  	s4 =	simm.s32 $0x1BF5;
	[smem:$0x3FB9] =	sst s0  }
0x18: {  	s0 =	sld [smem:$0x3F9C];
	_ =	swait.ge [sflag:s4], $0x0  }
0x19: {  	s7 =	sld [smem:$0x3F9D]  }
0x1a: {  	s8 =	sadd.s32 $0xFFFFE003, lr  }
0x1b: {  	s9 =	sadd.s32 $0xFFFFFEF7, lr;
	s5 =	simm.s32 $0xFFFFFFFF;
	p2 =	slt.u32 s8, $0xFFFFF086  }
0x1c: {  	p1 =	slt.u32 s9, $0xF7A;
	s5 =	simm.s32 @!p2 $0x0  }
0x1d: {  	s5 =	simm.s32 @p1 $0x1;
	p0 =	seq.s32 s7, s2  }
0x1e: {  	s7 =	smul.u32 @!p0 $0xF7A, s2;
	p2 =	seq.s32 @!p0 s5, $0x0  }
0x1f: {  	s9 =	smul.u32 $0xF7A, s1;
	s8 =	simm.s32 @!p0 $0x1BF5;
	p2 =	por !p2, p0  }
0x20: {  	[sflag:s8] =	ssyncset.s32 @!p0 $0xFFFFF086;
	s6 =	sadd.s32 @!p0 s3, s7;
	s7 =	simm.s32 @!p0 $0x108  }
0x21: {  	s3 =	sadd.s32 s3, s9;
	s6 =	sadd.s32 @!p0 $0x88, s6;
	s7 =	simm.s32 @p2 $0x1082  }
0x22: {  	[simem:s7], [sflag:s8] =	dma.local @!p0 [hbm:s6], $0xF7A  }
0x23: {  	s9 =	sor.u32 $0xD0000000, s2;
	s6 =	simm.s32 $0x108;
	_ =	swait.ge @!p0 [sflag:s8], $0x0  }
0x24: {  	s3 =	sadd.s32 $0x88, s3;
	s6 =	simm.s32 @!p1 $0x1082;
	[sflag:s4] =	ssyncset.s32 $0xFFFFF086  }
0x25: {  	[simem:s6], [sflag:s4] =	dma.local [hbm:s3], $0xF7A  }
0x26: {  	[smem:$0x3F9D] =	sst s1;
	(tag) =	ssettag s2;
	_ =	strace s9  }
0x27: {  	s1 =	sld [smem:$0x3FAD]  }
0x28: {  	s2 =	sld [smem:$0x3FAE]  }
0x29: {  	s4 =	sld [smem:$0x3FB0]  }
0x2a: {  	p0 =	seq.s32 s5, $0x0;
	s5 =	sld [smem:$0x3FB1]  }
0x2b: {  	s6 =	sld [smem:$0x3FB2]  }
0x2c: {  	s7 =	sld [smem:$0x3FB3]  }
0x2d: {  	s3 =	simm.s32 $0x108;
	s8 =	sld [smem:$0x3FB4]  }
0x2e: {  	s3 =	simm.s32 @!p0 $0x1082;
	s9 =	sld [smem:$0x3FB5]  }
0x2f: {  	lr =	sadd.s32 s0, s3;
	s0 =	sld [smem:$0x3FAC]  }
0x30: {  	s3 =	sld [smem:$0x3FAF]  }
0x31: {  	[smem:$0x3FB8] =	sst s10  }
0x32: {  	s10 =	sld [smem:$0x3FB6];
	_ =	sdelay $0x3  }
0x33: {  	p0 =	seq.s32 s10, $0x1;
	s10 =	sld [smem:$0x3FB8];
	_ =	sdelay $0x3  }
0x34: {  	[smem:$0x3FB8] =	sst s10  }
0x35: {  	s10 =	sld [smem:$0x3FB7];
	_ =	sdelay $0x3  }
0x36: {  	p1 =	seq.s32 s10, $0x1;
	s10 =	sld [smem:$0x3FB8];
	_ =	sdelay $0x3  }
0x37: {  	[smem:$0x3FB8] =	sst s10  }
0x38: {  	s10 =	sld [smem:$0x3FB9]  }
0x39: {  	_ = 	snop;
	(pc) =	sbr.ind lr, $3  }
0x3a: {  	_ = 	snop  }
0x3b: {  	_ = 	snop  }
0x3c: {  	p2 =	seq.s32 s10, $0x1;
	s10 =	sld [smem:$0x3FB8]  }
0x3d: {  	_ =	shalt  }
0x3e: {  	_ =	shalt  }
0x3f: {  	_ =	shalt  }
0x40: {  	_ =	shalt  }
0x41: {  	_ =	shalt  }
0x42: {  	_ =	shalt  }
0x43: {  	_ =	shalt  }
0x44: {  	_ =	shalt  }
0x45: {  	_ =	shalt  }
0x46: {  	_ =	shalt  }
0x47: {  	_ =	shalt  }
0x48: {  	_ =	shalt  }
0x49: {  	_ =	shalt  }
0x4a: {  	_ =	shalt  }
0x4b: {  	_ =	shalt  }
0x4c: {  	_ =	shalt  }
0x4d: {  	_ =	shalt  }
0x4e: {  	_ =	shalt  }
0x4f: {  	_ =	shalt  }
0x50: {  	_ =	shalt  }
0x51: {  	_ =	shalt  }
0x52: {  	_ =	shalt  }
0x53: {  	_ =	shalt  }
0x54: {  	_ =	shalt  }
0x55: {  	_ =	shalt  }
0x56: {  	_ =	shalt  }
0x57: {  	_ =	shalt  }
0x58: {  	_ =	shalt  }
0x59: {  	_ =	shalt  }
0x5a: {  	_ =	shalt  }
0x5b: {  	_ =	shalt  }
0x5c: {  	_ =	shalt  }
0x5d: {  	_ =	shalt  }
0x5e: {  	_ =	shalt  }
0x5f: {  	_ =	shalt  }
0x60: {  	_ =	shalt  }
0x61: {  	_ =	shalt  }
0x62: {  	_ =	shalt  }
0x63: {  	_ =	shalt  }
0x64: {  	_ =	shalt  }
0x65: {  	_ =	shalt  }
0x66: {  	_ =	shalt  }
0x67: {  	_ =	shalt  }
0x68: {  	_ =	shalt  }
0x69: {  	_ =	shalt  }
0x6a: {  	_ =	shalt  }
0x6b: {  	_ =	shalt  }
0x6c: {  	_ =	shalt  }
0x6d: {  	_ =	shalt  }
0x6e: {  	_ =	shalt  }
0x6f: {  	_ =	shalt  }
0x70: {  	_ =	shalt  }
0x71: {  	_ =	shalt  }
0x72: {  	_ =	shalt  }
0x73: {  	_ =	shalt  }
0x74: {  	_ =	shalt  }
0x75: {  	_ =	shalt  }
0x76: {  	_ =	shalt  }
0x77: {  	_ =	shalt  }
0x78: {  	_ =	shalt  }
0x79: {  	_ =	shalt  }
0x7a: {  	_ =	shalt  }
0x7b: {  	_ =	shalt  }
0x7c: {  	_ =	shalt  }
0x7d: {  	_ =	shalt  }
0x7e: {  	_ =	shalt  }
0x7f: {  	_ =	shalt  }
0x80: {  	_ =	shalt  }
0x81: {  	_ =	shalt  }
0x82: {  	_ =	shalt  }
0x83: {  	_ =	shalt  }
0x84: {  	_ =	shalt  }
0x85: {  	_ =	shalt  }
0x86: {  	_ =	shalt  }
0x87: {  	_ =	shalt  }
.Lfunc_end0:
.L_simem_size_0:
called_computation_lowered:
.L_overlay_start_0:
0x88: {  	s2 =	sld [smem:$0x3FD9]  }
0x89: {  	s3 =	sld [smem:$0x3FFE];
	_ =	sdelay $0x1  }
0x8a: {  	s1 =	srdreg.scid  }
0x8b: {  	s0 =	sand.u32 $0x1, s1  }
0x8c: {  	s17 =	sshll.u32 s0, $0xA;
	s2 =	sadd.s32 s3, s2  }
0x8d: {  	s2 =	sadd.s32 s2, s17  }
0x8e: {  	[smem:$0x3FC4] =	sst s2  }
0x8f: {  	_ = 	snop  }
0x90: {  	s2 =	sld [smem:$0x3FD0];
	(tm) =	ssettm $0x1  }
0x91: {  	s18 =	sld [smem:$0x3FFB];
	_ =	sdelay $0x3  }
0x92: {  	_ =	strace s18  }
0x93: {  	s3 =	sld [smem:$0x3FFC];
	_ =	sdelay $0x3  }
0x94: {  	_ =	strace s3  }
0x95: {  	s3 =	sld [smem:$0x3FFD];
	_ =	sdelay $0x3  }
0x96: {  	_ =	strace s3  }
0x97: {  	_ =	strace $0x8FFFFFFF  }
0x98: {  	s19 =	sld [smem:$0x3FDB];
	_ =	sdelay $0x1  }
0x99: {  	s4 =	simm.s32 $_scs_section_size  }
0x9a: {  	s5 =	simm.s32 $_size__tile_overlayer_lowered;
	s6 =	simm.s32 $_tile_overlayer_lowered  }
0x9b: {  	s22 =	simm.s32 $0x1BFF;
	s21 =	sshll.u32 s6, $0x1;
	s3 =	sadd.s32 s4, s19  }
0x9c: {  	s7 =	simm.s32 $0x0;
	s20 =	sshll.u32 s5, $0x1;
	s5 =	sadd.s32 s21, s3  }
0x9d: {  	[timem:s7], [sflag:s22] =	dma.local [hbm:s5], s20  }
0x9e: {  	_ =	swait.ge [sflag:s22], s20  }
0x9f: {  	s4 =	ssub.s32 $0x0, s20;
	[sflag:s22] =	ssyncset.done $0x0  }
0xa0: {  	[sflag:s22] =	ssyncadd.s32 s4;
	_ =	sdelay $0x1  }
0xa1: {  	s23 =	simm.s32 $0x1B8B  }
0xa2: {  	_ =	swait.ge [sflag:s23], $0x1  }
0xa3: {  	[sflag:s23] =	ssyncset.done $0x0  }
0xa4: {  	s25 =	simm.s32 $0x1B8E;
	s24 =	sld [smem:$0x3FFE];
	[sflag:s23] =	ssyncadd.s32 $0xFFFFFFFF  }
0xa5: {  	s26 =	simm.s32 $execute0_lowered;
	[smem:$0x3FD2] =	sst s25  }
0xa6: {  	s5 =	sshll.u32 s26, $0x1;
	_ =	strace $0x80000046;
	[dreg:$0x1] =	wrdreg $0xFFFFFFFF  }
0xa7: {  	s28 =	simm.s32 $_size_execute0_lowered;
	s3 =	sadd.s32 s3, s5;
	[dreg:$0x0] =	wrdreg $0x0  }
0xa8: {  	s5 =	sshll.u32 s28, $0x1;
	[dreg:$0x2] =	wrdreg s3  }
0xa9: {  	[dreg:$0x3] =	wrdreg s5  }
0xaa: {  	[dreg:$0x4] =	wrdreg $0xC0  }
0xab: {  	_ =	task [dreg:s7], $0x5FFFF  }
0xac: {  	[dreg:$0x1] =	wrdreg $0xFFFFFFFF  }
0xad: {  	[dreg:$0x0] =	wrdreg $0x60  }
0xae: {  	[dreg:$0x2] =	wrdreg s2  }
0xaf: {  	[dreg:$0x3] =	wrdreg s24  }
0xb0: {  	[dreg:$0x4] =	wrdreg $0x0  }
0xb1: {  	[dreg:$0x5] =	wrdreg $0x9  }
0xb2: {  	_ =	task.clear_ibuf [dreg:s7], $0x6FFFF;
	_ =	strace $0x90000046  }
0xb3: {  	s29 =	simm.s32 $0x9;
	_ =	strace $0x80000048  }
0xb4: {  	_ =	swait.ge [sflag:s29], $0x1  }
0xb5: {  	[sflag:s29] =	ssyncadd.s32 $0xFFFFFFFF  }
0xb6: {  	_ =	strace $0x90000048  }
0xb7: {  	_ =	sfence  }
0xb8: {  	s30 =	sld [smem:$0x0];
	_ =	sdelay $0x2  }
0xb9: {  	s31 =	sshll.u32 s1, $0xD;
	s1 =	sshrl.u32 s1, $0x2  }
0xba: {  	s3 =	sand.u32 $0x4000, s31;
	s1 =	sadd.s32 s1, s30  }
0xbb: {  	s0 =	sor.u32 s3, s0;
	s1 =	sshll.u32 s1, $0x11  }
0xbc: {  	s0 =	sor.u32 s1, s0  }
0xbd: {  	s0 =	sadd.s32 $0x8F2B, s0  }
0xbe: {  	[sflag:s0] =	ssyncadd.remote.s32 $0x1  }
0xbf: {  	_ =	sfence.sel $0xFFFF  }
0xc0: {  	[dreg:$0x0] =	wrdreg $0xFFFFFFFF;
	(pc) =	sbr.abs _section_cstart, $3  }
0xc1: {  	[dreg:$0x1] =	wrdreg $0xFFFFFFFF  }
0xc2: {  	_ =	task.clear_ibuf [dreg:s7], $0x2FFFF;
	_ =	strace $0x9FFFFFFF  }
0xc3: {  	(tm) =	ssettm $0x7FFFFFFF  }
tec
execute0_lowered:
.L_overlay_start_1:
0x0: {  	(tag) =	ssettag $0x1  }
0x1: {  	s0 =	rddreg [dreg:$0x0]  }
0x2: {  	s2 =	rddreg [dreg:$0x1]  }
0x3: {  	s1 =	rddreg [dreg:$0x2];
	s3 =	simm.s32 $0x0  }
0x4: {  	s4 =	srdreg.scid;
	s9 =	stileid.u32;
	s12 =	simm.s32 $0x14000  }
0x5: {  	s13 =	simm.s32 $0x1;
	s15 =	simm.s32 $0x80;
	s16 =	simm.s32 $0x14800  }
0x6: {  	s17 =	simm.s32 $0x15000;
	s18 =	simm.s32 $0x15800;
	s19 =	simm.s32 $0x16000  }
0x7: {  	s28 =	simm.s32 $0x19000;
	s29 =	simm.s32 $0x19800;
	s30 =	simm.s32 $0x1A000  }
0x8: {  	s31 =	simm.s32 $0x1A800;
	s14 =	simm.s32 $0x0;
	[smem:$0x7FF] =	sst s3  }
0x9: {  	s5 =	sand.u32 $0x1, s4;
	s20 =	sshll.u32 s9, $0x10;
	s7 =	sshll.u32 s9, $0xB  }
0xa: {  	s24 =	sshll.u32 s9, $0xF;
	_ =	strace $0x80000047;
	s6 =	ssub.s32 $0x2, s5  }
0xb: {  	s4 =	sadd.s32 s20, s1;
	s7 =	sadd.s32 s7, s2;
	p1 =	seq.s32 s5, $0x1  }
0xc: {  	p0 =	seq.s32 s5, $0x0;
	s5 =	simm.s32 $0x108000;
	s20 =	simm.s32 $0x16800  }
0xd: {  	s8 =	sshrl.u32 s6, $0x1;
	s21 =	sadd.s32 $0x4000, s4;
	[dreg:$0x4] =	wrdreg s4  }
0xe: {  	s22 =	sadd.s32 $0x8000, s4;
	s4 =	sadd.s32 $0xC000, s4;
	[dreg:$0x5] =	wrdreg s21  }
0xf: {  	s23 =	sadd.s32 $0x80000, s7;
	s0 =	smov.u32 @p1 s2;
	[dreg:$0x6] =	wrdreg s22  }
0x10: {  	s5 =	simm.s32 @!p0 $0x88000;
	s6 =	ssub.s32 s6, s8;
	[dreg:$0x7] =	wrdreg s4  }
0x11: {  	[dreg:$0x8] =	wrdreg s23;
	s10 =	sadd.s32 s0, s24;
	s26 =	sadd.s32 s5, s2  }
0x12: {  	s21 =	simm.s32 $0x17000;
	s22 =	simm.s32 $0x2;
	s23 =	simm.s32 $0x17800  }
0x13: {  	s0 =	simm.s32 $0x1B000;
	s2 =	simm.s32 $0x1B800;
	s25 =	smax.u32 s6, $0x1  }
0x14: {  	s11 =	sadd.s32 s26, s24;
	s24 =	simm.s32 $0x2;
	s22 =	simm.s32 @!p0 $0x1  }
0x15: {  	v0 =	vimm.f32 $0.0e+00;
	s26 =	simm.s32 $0x18800;
	[dreg:$0x9] =	wrdreg s25;
	s25 =	simm.s32 $0x18000  }
.LBB2_1:
0x16: {  	s5 =	simm.s32 $0x40;
	s6 =	simm.s32 $0x0  }
.LBB2_2:
0x17: {  	p0 =	sne.s32 s5, $0xFFC0;
	[tilespmem:s6+$0x14000] =	vst v0;
	s6 =	smov.u32 s5;
	s5 =	sadd.s32 $0x40, s5  }
.Ltmp0:
0x18: {  	(pc) =	sbr.rel @p0 .LBB2_2-.Ltmp0, $2  }
0x19: {  	_ =	sdelay $0x2  }
0x1a: {  	s6 =	sshra.s32 s6, $0x2  }
0x1b: {  	[tilespmem:s6+$0x14000] =	vst v0;
	s4 =	rddreg [dreg:$0x4]  }
0x1c: {  	[spmem:s4] =	stream.linear.scatter [tilespmem:s12], [sflag:$0x1], $0x4000, $0x38;
	[tilespmem:$0x1C000] =	vst v63  }
0x1d: {  	_ =	swait.ge [sflag:s13], $0x4000  }
0x1e: {  	[sflag:s13] =	ssyncset.done $0x0  }
0x1f: {  	s5 =	rddreg [dreg:$0x5];
	[sflag:s13] =	ssyncadd.s32 $0xFFFFC000  }
0x20: {  	[spmem:s5] =	stream.linear.scatter [tilespmem:s12], [sflag:$0x1], $0x4000, $0x38;
	[tilespmem:$0x1C000] =	vst v63  }
0x21: {  	_ =	swait.ge [sflag:s13], $0x4000  }
0x22: {  	[sflag:s13] =	ssyncset.done $0x0  }
0x23: {  	s6 =	rddreg [dreg:$0x6];
	[sflag:s13] =	ssyncadd.s32 $0xFFFFC000  }
0x24: {  	[spmem:s6] =	stream.linear.scatter [tilespmem:s12], [sflag:$0x1], $0x4000, $0x38;
	[tilespmem:$0x1C000] =	vst v63  }
0x25: {  	_ =	swait.ge [sflag:s13], $0x4000  }
0x26: {  	[sflag:s13] =	ssyncset.done $0x0  }
0x27: {  	s7 =	rddreg [dreg:$0x7];
	[sflag:s13] =	ssyncadd.s32 $0xFFFFC000  }
0x28: {  	[spmem:s7] =	stream.linear.scatter [tilespmem:s12], [sflag:$0x1], $0x4000, $0x38;
	[tilespmem:$0x1C000] =	vst v63  }
0x29: {  	_ =	swait.ge [sflag:s13], $0x4000  }
0x2a: {  	s9 =	simm.s32 $0x10000;
	[sflag:s13] =	ssyncset.done $0x0  }
0x2b: {  	s5 =	simm.s32 $0x0;
	s8 =	rddreg [dreg:$0x8];
	[sflag:s13] =	ssyncadd.s32 $0xFFFFC000  }
0x2c: {  	[tilespmem:s9], [sflag:$0x1] =	stream.linear.gather [hbm4b:s8+s5], $0x4000, $0x38;
	[tilespmem:$0x1C000] =	vst v63  }
0x2d: {  	_ =	swait.ge [sflag:s13], $0x4000  }
0x2e: {  	[sflag:s13] =	ssyncset.done $0x0  }
0x2f: {  	[sflag:s13] =	ssyncadd.s32 $0xFFFFC000  }
0x30: {  	[bflag:$0x0] =	sbarrier.arrive $0xFFFF  }
0x31: {  	[tilespmem:s12], [sflag:$0x1] =	stream.linear.gather [hbm4b:s10+s3], $0x4000, $0x38;
	[tilespmem:$0x1C000] =	vst v63  }
0x32: {  	_ =	swait.ge [sflag:s13], $0x4000  }
0x33: {  	[sflag:s13] =	ssyncset.done $0x0  }
0x34: {  	s7 =	simm.s32 $0x10000;
	[sflag:s13] =	ssyncadd.s32 $0xFFFFC000  }
0x35: {  	[spmem:s1] =	stream.indirect.scatter.add.f32 [tilespmem:s12], [sflag:$0x1], $0x10, s7, s15, $0xb8;
	[tilespmem:$0x1C000] =	vst v63  }
0x36: {  	_ =	swait.ge [sflag:s13], $0x800  }
0x37: {  	[sflag:s13] =	ssyncset.done $0x0  }
0x38: {  	s8 =	simm.s32 $0x10080;
	[sflag:s13] =	ssyncadd.s32 $0xFFFFF800  }
0x39: {  	[spmem:s1] =	stream.indirect.scatter.add.f32 [tilespmem:s16], [sflag:$0x1], $0x10, s8, s15, $0xb8;
	[tilespmem:$0x1C000] =	vst v63  }
0x3a: {  	_ =	swait.ge [sflag:s13], $0x800  }
0x3b: {  	[sflag:s13] =	ssyncset.done $0x0  }
0x3c: {  	s9 =	simm.s32 $0x10100;
	[sflag:s13] =	ssyncadd.s32 $0xFFFFF800  }
0x3d: {  	[spmem:s1] =	stream.indirect.scatter.add.f32 [tilespmem:s17], [sflag:$0x1], $0x10, s9, s15, $0xb8;
	[tilespmem:$0x1C000] =	vst v63  }
0x3e: {  	_ =	swait.ge [sflag:s13], $0x800  }
0x3f: {  	[sflag:s13] =	ssyncset.done $0x0  }
0x40: {  	s4 =	simm.s32 $0x10180;
	[sflag:s13] =	ssyncadd.s32 $0xFFFFF800  }
0x41: {  	[spmem:s1] =	stream.indirect.scatter.add.f32 [tilespmem:s18], [sflag:$0x1], $0x10, s4, s15, $0xb8;
	[tilespmem:$0x1C000] =	vst v63  }
0x42: {  	_ =	swait.ge [sflag:s13], $0x800  }
0x43: {  	[sflag:s13] =	ssyncset.done $0x0  }
0x44: {  	s6 =	simm.s32 $0x10200;
	[sflag:s13] =	ssyncadd.s32 $0xFFFFF800  }
0x45: {  	[spmem:s1] =	stream.indirect.scatter.add.f32 [tilespmem:s19], [sflag:$0x1], $0x10, s6, s15, $0xb8;
	[tilespmem:$0x1C000] =	vst v63  }
0x46: {  	_ =	swait.ge [sflag:s13], $0x800  }
0x47: {  	[sflag:s13] =	ssyncset.done $0x0  }
0x48: {  	s7 =	simm.s32 $0x10280;
	[sflag:s13] =	ssyncadd.s32 $0xFFFFF800  }
0x49: {  	[spmem:s1] =	stream.indirect.scatter.add.f32 [tilespmem:s20], [sflag:$0x1], $0x10, s7, s15, $0xb8;
	[tilespmem:$0x1C000] =	vst v63  }
0x4a: {  	_ =	swait.ge [sflag:s13], $0x800  }
0x4b: {  	[sflag:s13] =	ssyncset.done $0x0  }
0x4c: {  	s8 =	simm.s32 $0x10300;
	[sflag:s13] =	ssyncadd.s32 $0xFFFFF800  }
0x4d: {  	[spmem:s1] =	stream.indirect.scatter.add.f32 [tilespmem:s21], [sflag:$0x1], $0x10, s8, s15, $0xb8;
	[tilespmem:$0x1C000] =	vst v63  }
0x4e: {  	_ =	swait.ge [sflag:s13], $0x800  }
0x4f: {  	[sflag:s13] =	ssyncset.done $0x0  }
0x50: {  	s9 =	simm.s32 $0x10380;
	[sflag:s13] =	ssyncadd.s32 $0xFFFFF800  }
0x51: {  	[spmem:s1] =	stream.indirect.scatter.add.f32 [tilespmem:s23], [sflag:$0x1], $0x10, s9, s15, $0xb8;
	[tilespmem:$0x1C000] =	vst v63  }
0x52: {  	_ =	swait.ge [sflag:s13], $0x800  }
0x53: {  	s5 =	simm.s32 $0x1000;
	s6 =	smov.u32 s10;
	[sflag:s13] =	ssyncset.done $0x0  }
.LBB2_4:
0x54: {  	p0 =	sne.s32 s5, $0xF000;
	[sflag:s13] =	ssyncadd.s32 $0xFFFFF800;
	s6 =	sadd.s32 $0x800, s6  }
0x55: {  	[tilespmem:s12], [sflag:$0x1] =	stream.linear.gather [hbm4b:s6+s3], $0x4000, $0x38;
	[tilespmem:$0x1C000] =	vst v63  }
0x56: {  	s7 =	smov.u32 s5;
	s5 =	sadd.s32 $0x1000, s5;
	_ =	swait.ge [sflag:s13], $0x4000  }
0x57: {  	s7 =	sshra.s32 s7, $0x2;
	[sflag:s13] =	ssyncset.done $0x0  }
0x58: {  	s8 =	sadd.s32 $0x10000, s7;
	[sflag:s13] =	ssyncadd.s32 $0xFFFFC000  }
0x59: {  	[spmem:s1] =	stream.indirect.scatter.add.f32 [tilespmem:s12], [sflag:$0x1], $0x10, s8, s15, $0xb8;
	[tilespmem:$0x1C000] =	vst v63  }
0x5a: {  	_ =	swait.ge [sflag:s13], $0x800  }
0x5b: {  	[sflag:s13] =	ssyncset.done $0x0  }
0x5c: {  	s8 =	sadd.s32 $0x10080, s7;
	[sflag:s13] =	ssyncadd.s32 $0xFFFFF800  }
0x5d: {  	[spmem:s1] =	stream.indirect.scatter.add.f32 [tilespmem:s16], [sflag:$0x1], $0x10, s8, s15, $0xb8;
	[tilespmem:$0x1C000] =	vst v63  }
0x5e: {  	_ =	swait.ge [sflag:s13], $0x800  }
0x5f: {  	[sflag:s13] =	ssyncset.done $0x0  }
0x60: {  	s8 =	sadd.s32 $0x10100, s7;
	[sflag:s13] =	ssyncadd.s32 $0xFFFFF800  }
0x61: {  	[spmem:s1] =	stream.indirect.scatter.add.f32 [tilespmem:s17], [sflag:$0x1], $0x10, s8, s15, $0xb8;
	[tilespmem:$0x1C000] =	vst v63  }
0x62: {  	_ =	swait.ge [sflag:s13], $0x800  }
0x63: {  	[sflag:s13] =	ssyncset.done $0x0  }
0x64: {  	s8 =	sadd.s32 $0x10180, s7;
	[sflag:s13] =	ssyncadd.s32 $0xFFFFF800  }
0x65: {  	[spmem:s1] =	stream.indirect.scatter.add.f32 [tilespmem:s18], [sflag:$0x1], $0x10, s8, s15, $0xb8;
	[tilespmem:$0x1C000] =	vst v63  }
0x66: {  	_ =	swait.ge [sflag:s13], $0x800  }
0x67: {  	[sflag:s13] =	ssyncset.done $0x0  }
0x68: {  	s8 =	sadd.s32 $0x10200, s7;
	[sflag:s13] =	ssyncadd.s32 $0xFFFFF800  }
0x69: {  	[spmem:s1] =	stream.indirect.scatter.add.f32 [tilespmem:s19], [sflag:$0x1], $0x10, s8, s15, $0xb8;
	[tilespmem:$0x1C000] =	vst v63  }
0x6a: {  	_ =	swait.ge [sflag:s13], $0x800  }
0x6b: {  	[sflag:s13] =	ssyncset.done $0x0  }
0x6c: {  	s8 =	sadd.s32 $0x10280, s7;
	[sflag:s13] =	ssyncadd.s32 $0xFFFFF800  }
0x6d: {  	[spmem:s1] =	stream.indirect.scatter.add.f32 [tilespmem:s20], [sflag:$0x1], $0x10, s8, s15, $0xb8;
	[tilespmem:$0x1C000] =	vst v63  }
0x6e: {  	_ =	swait.ge [sflag:s13], $0x800  }
0x6f: {  	[sflag:s13] =	ssyncset.done $0x0  }
0x70: {  	s8 =	sadd.s32 $0x10300, s7;
	[sflag:s13] =	ssyncadd.s32 $0xFFFFF800  }
0x71: {  	[spmem:s1] =	stream.indirect.scatter.add.f32 [tilespmem:s21], [sflag:$0x1], $0x10, s8, s15, $0xb8;
	[tilespmem:$0x1C000] =	vst v63  }
0x72: {  	_ =	swait.ge [sflag:s13], $0x800  }
.Ltmp1:
0x73: {  	[sflag:s13] =	ssyncset.done $0x0;
	(pc) =	sbr.rel @p0 .LBB2_4-.Ltmp1, $4  }
0x74: {  	s7 =	sadd.s32 $0x10380, s7;
	[sflag:s13] =	ssyncadd.s32 $0xFFFFF800  }
0x75: {  	[spmem:s1] =	stream.indirect.scatter.add.f32 [tilespmem:s23], [sflag:$0x1], $0x10, s7, s15, $0xb8;
	[tilespmem:$0x1C000] =	vst v63  }
0x76: {  	_ =	swait.ge [sflag:s13], $0x800  }
0x77: {  	[sflag:s13] =	ssyncset.done $0x0  }
0x78: {  	[sflag:s13] =	ssyncadd.s32 $0xFFFFF800  }
0x79: {  	s5 =	simm.s32 $0x10000;
	[bflag:$0x0] =	sbarrier.arrive $0xFFFF  }
0x7a: {  	[tilespmem:s25], [sflag:$0x2] =	stream.indirect.gather [spmem:s1], $0x10, s5, s15, $0xb8;
	[tilespmem:$0x1C000] =	vst v63  }
0x7b: {  	_ =	swait.ge [sflag:s24], $0x800  }
0x7c: {  	[sflag:s24] =	ssyncset.done $0x0  }
0x7d: {  	s8 =	simm.s32 $0x10080;
	[sflag:s24] =	ssyncadd.s32 $0xFFFFF800  }
0x7e: {  	[tilespmem:s26], [sflag:$0x2] =	stream.indirect.gather [spmem:s1], $0x10, s8, s15, $0xb8;
	[tilespmem:$0x1C000] =	vst v63  }
0x7f: {  	_ =	swait.ge [sflag:s24], $0x800  }
0x80: {  	[sflag:s24] =	ssyncset.done $0x0  }
0x81: {  	s9 =	simm.s32 $0x10100;
	[sflag:s24] =	ssyncadd.s32 $0xFFFFF800  }
0x82: {  	[tilespmem:s28], [sflag:$0x2] =	stream.indirect.gather [spmem:s1], $0x10, s9, s15, $0xb8;
	[tilespmem:$0x1C000] =	vst v63  }
0x83: {  	_ =	swait.ge [sflag:s24], $0x800  }
0x84: {  	[sflag:s24] =	ssyncset.done $0x0  }
0x85: {  	s4 =	simm.s32 $0x10180;
	[sflag:s24] =	ssyncadd.s32 $0xFFFFF800  }
0x86: {  	[tilespmem:s29], [sflag:$0x2] =	stream.indirect.gather [spmem:s1], $0x10, s4, s15, $0xb8;
	[tilespmem:$0x1C000] =	vst v63  }
0x87: {  	_ =	swait.ge [sflag:s24], $0x800  }
0x88: {  	[sflag:s24] =	ssyncset.done $0x0  }
0x89: {  	s6 =	simm.s32 $0x10200;
	[sflag:s24] =	ssyncadd.s32 $0xFFFFF800  }
0x8a: {  	[tilespmem:s30], [sflag:$0x2] =	stream.indirect.gather [spmem:s1], $0x10, s6, s15, $0xb8;
	[tilespmem:$0x1C000] =	vst v63  }
0x8b: {  	_ =	swait.ge [sflag:s24], $0x800  }
0x8c: {  	[sflag:s24] =	ssyncset.done $0x0  }
0x8d: {  	s7 =	simm.s32 $0x10280;
	[sflag:s24] =	ssyncadd.s32 $0xFFFFF800  }
0x8e: {  	[tilespmem:s31], [sflag:$0x2] =	stream.indirect.gather [spmem:s1], $0x10, s7, s15, $0xb8;
	[tilespmem:$0x1C000] =	vst v63  }
0x8f: {  	_ =	swait.ge [sflag:s24], $0x800  }
0x90: {  	[sflag:s24] =	ssyncset.done $0x0  }
0x91: {  	s8 =	simm.s32 $0x10300;
	[sflag:s24] =	ssyncadd.s32 $0xFFFFF800  }
0x92: {  	[tilespmem:s0], [sflag:$0x2] =	stream.indirect.gather [spmem:s1], $0x10, s8, s15, $0xb8;
	[tilespmem:$0x1C000] =	vst v63  }
0x93: {  	_ =	swait.ge [sflag:s24], $0x800  }
0x94: {  	[sflag:s24] =	ssyncset.done $0x0  }
0x95: {  	s9 =	simm.s32 $0x10380;
	[sflag:s24] =	ssyncadd.s32 $0xFFFFF800  }
0x96: {  	[tilespmem:s2], [sflag:$0x2] =	stream.indirect.gather [spmem:s1], $0x10, s9, s15, $0xb8;
	[tilespmem:$0x1C000] =	vst v63  }
0x97: {  	_ =	swait.ge [sflag:s24], $0x800  }
0x98: {  	[sflag:s24] =	ssyncset.done $0x0  }
0x99: {  	[sflag:s24] =	ssyncadd.s32 $0xFFFFF800  }
0x9a: {  	[hbm4b:s11+s3] =	stream.linear.scatter [tilespmem:s25], [sflag:s22], $0x4000, $0x38;
	[tilespmem:$0x1C000] =	vst v63  }
0x9b: {  	s5 =	sadd.s32 $0x800, s11;
	_ =	swait.ge [sflag:s22], $0x4000  }
0x9c: {  	s6 =	simm.s32 $0x400;
	s7 =	simm.s32 $0x2000;
	[sflag:s22] =	ssyncset.done $0x0  }
.LBB2_6:
0x9d: {  	s4 =	sadd.s32 $0x10000, s6  }
0x9e: {  	[sflag:s22] =	ssyncadd.s32 $0xFFFFC000;
	s8 =	smov.u32 s7;
	s9 =	sadd.s32 $0x1000, s7  }
0x9f: {  	[tilespmem:s25], [sflag:$0x2] =	stream.indirect.gather [spmem:s1], $0x10, s4, s15, $0xb8;
	[tilespmem:$0x1C000] =	vst v63  }
0xa0: {  	p0 =	sne.s32 s7, $0xF000;
	_ =	swait.ge [sflag:s24], $0x800  }
0xa1: {  	[sflag:s24] =	ssyncset.done $0x0  }
0xa2: {  	s4 =	sadd.s32 $0x10080, s6;
	[sflag:s24] =	ssyncadd.s32 $0xFFFFF800  }
0xa3: {  	[tilespmem:s26], [sflag:$0x2] =	stream.indirect.gather [spmem:s1], $0x10, s4, s15, $0xb8;
	[tilespmem:$0x1C000] =	vst v63  }
0xa4: {  	_ =	swait.ge [sflag:s24], $0x800  }
0xa5: {  	[sflag:s24] =	ssyncset.done $0x0  }
0xa6: {  	s4 =	sadd.s32 $0x10100, s6;
	[sflag:s24] =	ssyncadd.s32 $0xFFFFF800  }
0xa7: {  	[tilespmem:s28], [sflag:$0x2] =	stream.indirect.gather [spmem:s1], $0x10, s4, s15, $0xb8;
	[tilespmem:$0x1C000] =	vst v63  }
0xa8: {  	_ =	swait.ge [sflag:s24], $0x800  }
0xa9: {  	[sflag:s24] =	ssyncset.done $0x0  }
0xaa: {  	s4 =	sadd.s32 $0x10180, s6;
	[sflag:s24] =	ssyncadd.s32 $0xFFFFF800  }
0xab: {  	[tilespmem:s29], [sflag:$0x2] =	stream.indirect.gather [spmem:s1], $0x10, s4, s15, $0xb8;
	[tilespmem:$0x1C000] =	vst v63  }
0xac: {  	_ =	swait.ge [sflag:s24], $0x800  }
0xad: {  	[sflag:s24] =	ssyncset.done $0x0  }
0xae: {  	s4 =	sadd.s32 $0x10200, s6;
	[sflag:s24] =	ssyncadd.s32 $0xFFFFF800  }
0xaf: {  	[tilespmem:s30], [sflag:$0x2] =	stream.indirect.gather [spmem:s1], $0x10, s4, s15, $0xb8;
	[tilespmem:$0x1C000] =	vst v63  }
0xb0: {  	_ =	swait.ge [sflag:s24], $0x800  }
0xb1: {  	[sflag:s24] =	ssyncset.done $0x0  }
0xb2: {  	s4 =	sadd.s32 $0x10280, s6;
	[sflag:s24] =	ssyncadd.s32 $0xFFFFF800  }
0xb3: {  	[tilespmem:s31], [sflag:$0x2] =	stream.indirect.gather [spmem:s1], $0x10, s4, s15, $0xb8;
	[tilespmem:$0x1C000] =	vst v63  }
0xb4: {  	_ =	swait.ge [sflag:s24], $0x800  }
0xb5: {  	[sflag:s24] =	ssyncset.done $0x0  }
0xb6: {  	s4 =	sadd.s32 $0x10300, s6;
	[sflag:s24] =	ssyncadd.s32 $0xFFFFF800  }
0xb7: {  	[tilespmem:s0], [sflag:$0x2] =	stream.indirect.gather [spmem:s1], $0x10, s4, s15, $0xb8;
	[tilespmem:$0x1C000] =	vst v63  }
0xb8: {  	_ =	swait.ge [sflag:s24], $0x800  }
0xb9: {  	[sflag:s24] =	ssyncset.done $0x0  }
0xba: {  	s4 =	sadd.s32 $0x10380, s6;
	[sflag:s24] =	ssyncadd.s32 $0xFFFFF800  }
0xbb: {  	[tilespmem:s2], [sflag:$0x2] =	stream.indirect.gather [spmem:s1], $0x10, s4, s15, $0xb8;
	[tilespmem:$0x1C000] =	vst v63  }
0xbc: {  	_ =	swait.ge [sflag:s24], $0x800  }
.Ltmp2:
0xbd: {  	[sflag:s24] =	ssyncset.done $0x0;
	(pc) =	sbr.rel @p0 .LBB2_6-.Ltmp2, $4  }
0xbe: {  	[sflag:s24] =	ssyncadd.s32 $0xFFFFF800  }
0xbf: {  	[hbm4b:s5+s3] =	stream.linear.scatter [tilespmem:s25], [sflag:s22], $0x4000, $0x38;
	[tilespmem:$0x1C000] =	vst v63  }
0xc0: {  	s7 =	smov.u32 s9;
	_ =	swait.ge [sflag:s22], $0x4000  }
0xc1: {  	s6 =	sshra.s32 s8, $0x2;
	s5 =	sadd.s32 $0x800, s5;
	[sflag:s22] =	ssyncset.done $0x0  }
0xc2: {  	s4 =	sadd.s32 $0x10000, s6;
	[sflag:s22] =	ssyncadd.s32 $0xFFFFC000  }
0xc3: {  	[tilespmem:s25], [sflag:$0x2] =	stream.indirect.gather [spmem:s1], $0x10, s4, s15, $0xb8;
	[tilespmem:$0x1C000] =	vst v63  }
0xc4: {  	_ =	swait.ge [sflag:s24], $0x800  }
0xc5: {  	[sflag:s24] =	ssyncset.done $0x0  }
0xc6: {  	s8 =	sadd.s32 $0x10080, s6;
	[sflag:s24] =	ssyncadd.s32 $0xFFFFF800  }
0xc7: {  	[tilespmem:s26], [sflag:$0x2] =	stream.indirect.gather [spmem:s1], $0x10, s8, s15, $0xb8;
	[tilespmem:$0x1C000] =	vst v63  }
0xc8: {  	_ =	swait.ge [sflag:s24], $0x800  }
0xc9: {  	[sflag:s24] =	ssyncset.done $0x0  }
0xca: {  	s9 =	sadd.s32 $0x10100, s6;
	[sflag:s24] =	ssyncadd.s32 $0xFFFFF800  }
0xcb: {  	[tilespmem:s28], [sflag:$0x2] =	stream.indirect.gather [spmem:s1], $0x10, s9, s15, $0xb8;
	[tilespmem:$0x1C000] =	vst v63  }
0xcc: {  	_ =	swait.ge [sflag:s24], $0x800  }
0xcd: {  	[sflag:s24] =	ssyncset.done $0x0  }
0xce: {  	s7 =	sadd.s32 $0x10180, s6;
	[sflag:s24] =	ssyncadd.s32 $0xFFFFF800  }
0xcf: {  	[tilespmem:s29], [sflag:$0x2] =	stream.indirect.gather [spmem:s1], $0x10, s7, s15, $0xb8;
	[tilespmem:$0x1C000] =	vst v63  }
0xd0: {  	_ =	swait.ge [sflag:s24], $0x800  }
0xd1: {  	[sflag:s24] =	ssyncset.done $0x0  }
0xd2: {  	s8 =	sadd.s32 $0x10200, s6;
	[sflag:s24] =	ssyncadd.s32 $0xFFFFF800  }
0xd3: {  	[tilespmem:s30], [sflag:$0x2] =	stream.indirect.gather [spmem:s1], $0x10, s8, s15, $0xb8;
	[tilespmem:$0x1C000] =	vst v63  }
0xd4: {  	_ =	swait.ge [sflag:s24], $0x800  }
0xd5: {  	[sflag:s24] =	ssyncset.done $0x0  }
0xd6: {  	s9 =	sadd.s32 $0x10280, s6;
	[sflag:s24] =	ssyncadd.s32 $0xFFFFF800  }
0xd7: {  	[tilespmem:s31], [sflag:$0x2] =	stream.indirect.gather [spmem:s1], $0x10, s9, s15, $0xb8;
	[tilespmem:$0x1C000] =	vst v63  }
0xd8: {  	_ =	swait.ge [sflag:s24], $0x800  }
0xd9: {  	[sflag:s24] =	ssyncset.done $0x0  }
0xda: {  	s7 =	sadd.s32 $0x10300, s6;
	[sflag:s24] =	ssyncadd.s32 $0xFFFFF800  }
0xdb: {  	[tilespmem:s0], [sflag:$0x2] =	stream.indirect.gather [spmem:s1], $0x10, s7, s15, $0xb8;
	[tilespmem:$0x1C000] =	vst v63  }
0xdc: {  	_ =	swait.ge [sflag:s24], $0x800  }
0xdd: {  	[sflag:s24] =	ssyncset.done $0x0  }
0xde: {  	s8 =	sadd.s32 $0x10380, s6;
	[sflag:s24] =	ssyncadd.s32 $0xFFFFF800  }
0xdf: {  	[tilespmem:s2], [sflag:$0x2] =	stream.indirect.gather [spmem:s1], $0x10, s8, s15, $0xb8;
	[tilespmem:$0x1C000] =	vst v63  }
0xe0: {  	_ =	swait.ge [sflag:s24], $0x800  }
0xe1: {  	[sflag:s24] =	ssyncset.done $0x0  }
0xe2: {  	[sflag:s24] =	ssyncadd.s32 $0xFFFFF800  }
0xe3: {  	[hbm4b:s5+s3] =	stream.linear.scatter [tilespmem:s25], [sflag:s22], $0x4000, $0x38;
	[tilespmem:$0x1C000] =	vst v63  }
0xe4: {  	_ =	swait.ge [sflag:s22], $0x4000  }
0xe5: {  	s14 =	sadd.s32 $0x1, s14;
	s9 =	rddreg [dreg:$0x9]  }
0xe6: {  	p0 =	sne.s32 s14, s9  }
.Ltmp3:
0xe7: {  	_ = 	snop;
	(pc) =	sbr.rel @p0 .LBB2_1-.Ltmp3, $3  }
0xe8: {  	_ =	sdelay $0x1  }
0xe9: {  	[sflag:s22] =	ssyncset.done $0x0  }
0xea: {  	[sflag:s22] =	ssyncadd.s32 $0xFFFFC000  }
0xeb: {  	_ =	sfence.sel $0x180000  }
0xec: {  	[bflag:$0x0] =	sbarrier.arrive $0xFFFF  }
0xed: {  	_ =	strace $0x90000047  }
0xee: {  	s0 =	stileid.u32;
	[bflag:$0x2] =	sbarrier.arrive $0xFFFF  }
0xef: {  	p0 =	sne.s32 s0, $0x0;
	s0 =	rddreg [dreg:$0x3]  }
0xf0: {  	s0 =	sadd.s32 @!p0 $0x100000, s0  }
0xf1: {  	[sflag:s0] =	ssyncadd.tile.s32 @!p0 $0x1;
	_ =	shalt  }
.Lfunc_end2:
_tile_overlayer_lowered:
.L_overlay_start_2:
0xf2: {  	(tag) =	ssettag $0x2  }
0xf3: {  	s0 =	rddreg [dreg:$0x0];
	s2 =	stileid.u32  }
0xf4: {  	s1 =	rddreg [dreg:$0x1];
	p0 =	sne.s32 s2, $0x0  }
0xf5: {  	s3 =	rddreg [dreg:$0x2];
	[bflag:$0x3] =	sbarrier.arrive $0xFFFF;
	s2 =	simm.s32 @!p0 $0x1C01  }
0xf6: {  	[timem:s3], [sflag:s2] =	dma.local @!p0 [hbm:s0], s1  }
0xf7: {  	s0 =	simm.s32 @!p0 $0x1  }
0xf8: {  	_ =	swait.ge @!p0 [sflag:s0], s1  }
0xf9: {  	s1 =	ssub.s32 @!p0 $0x0, s1;
	[sflag:s0] =	ssyncset.done @!p0 $0x0  }
0xfa: {  	[sflag:s0] =	ssyncadd.s32 @!p0 s1  }
0xfb: {  	[bflag:$0x3] =	sbarrier.arrive $0xFFFF  }
0xfc: {  	_ =	shalt  }

</sc_bundles>
